<compile_context>
chip_gen: v7x
topology: tpu7x:2x2x1
jax: 0.10.2.dev20260603
libtpu: 0.0.44.dev20260713+nightly
codegen_flags: <defaults>
</compile_context>

<pallas_src>
import functools

import jax
import jax.numpy as jnp
from jax import lax
from jax.experimental import pallas as pl
from jax.experimental.pallas import tpu as pltpu
from jax.experimental.pallas import tpu_sc as plsc

_NUM_INSTANCE = 16384
_FEAT_LEN = 768
_POS_NUM = 8192

_SP_NBUF = 8
_SP_LEAD = 4
_SP_CHUNK = 256
_SP_NCHUNK = _POS_NUM // _SP_CHUNK

_TC_BLOCK = 1024
_TC_NBLK = _NUM_INSTANCE // _TC_BLOCK
_TC_FEAT_BLKS = _POS_NUM // _TC_BLOCK


def _sc_queue_update(feat, q):
    mesh = plsc.ScalarSubcoreMesh(axis_name="c")
    out_sds = jax.ShapeDtypeStruct((_NUM_INSTANCE, _FEAT_LEN), jnp.float32)

    @functools.partial(
        pl.kernel,
        out_type=out_sds,
        mesh=mesh,
        scratch_types=[
            pltpu.VMEM_SHARED((_SP_NBUF, _SP_CHUNK, _FEAT_LEN), jnp.float32),
            pltpu.SemaphoreType.DMA((_SP_NBUF,)),
            pltpu.SemaphoreType.DMA((_SP_NBUF,)),
        ],
    )
    def body(feat_hbm, q_hbm, out_hbm, buf, in_sems, out_sems):
        core = lax.axis_index("c")
        base = core * _POS_NUM

        def run_sp_pipeline(src):
            def in_copy(c):
                b = lax.rem(c, _SP_NBUF)
                return pltpu.make_async_copy(
                    src.at[pl.ds(base + c * _SP_CHUNK, _SP_CHUNK)],
                    buf.at[b], in_sems.at[b])

            def out_copy(c):
                b = lax.rem(c, _SP_NBUF)
                return pltpu.make_async_copy(
                    buf.at[b],
                    out_hbm.at[pl.ds(base + c * _SP_CHUNK, _SP_CHUNK)],
                    out_sems.at[b])

            for c in range(_SP_LEAD):
                in_copy(c).start()

            def step(c, carry):
                in_copy(c).wait()
                out_copy(c).start()
                j = c + _SP_LEAD

                @pl.when(j < _SP_NCHUNK)
                def _():
                    @pl.when(j >= _SP_NBUF)
                    def _():
                        out_copy(j - _SP_NBUF).wait()

                    in_copy(j).start()

                return carry

            lax.fori_loop(0, _SP_NCHUNK, step, 0)
            for c in range(_SP_NCHUNK - _SP_NBUF, _SP_NCHUNK):
                out_copy(c).wait()

        @pl.when(core == 0)
        def _():
            run_sp_pipeline(feat_hbm)

        @pl.when(core == 1)
        def _():
            run_sp_pipeline(q_hbm)

    return body(feat, q)


def _tc_copy_body(feat_ref, q_ref, out_ref):
    i = pl.program_id(0)

    @pl.when(i < _TC_FEAT_BLKS)
    def _():
        out_ref[...] = feat_ref[...]

    @pl.when(i >= _TC_FEAT_BLKS)
    def _():
        out_ref[...] = q_ref[...]


def _tc_queue_update(feat, q):
    return pl.pallas_call(
        _tc_copy_body,
        grid=(_TC_NBLK,),
        in_specs=[
            pl.BlockSpec(
                (_TC_BLOCK, _FEAT_LEN),
                lambda i: (jnp.minimum(i, _TC_FEAT_BLKS - 1), 0)),
            pl.BlockSpec(
                (_TC_BLOCK, _FEAT_LEN),
                lambda i: (jnp.maximum(i, _TC_FEAT_BLKS), 0)),
        ],
        out_specs=pl.BlockSpec((_TC_BLOCK, _FEAT_LEN), lambda i: (i, 0)),
        out_shape=jax.ShapeDtypeStruct((_NUM_INSTANCE, _FEAT_LEN),
                                       jnp.float32),
    )(feat, q)


def kernel(vis_feat, lag_feat, vis_memory_queue, lag_memory_queue):
    new_lag = _tc_queue_update(lag_feat, lag_memory_queue)
    new_vis = _sc_queue_update(vis_feat, vis_memory_queue)
    return (new_vis, new_lag)

# --- scband reference (transcript-rebuilt; emitter-appended) ---
"""Pipeline reference for scband-memory-queue-21955872817601 (READ-ONLY COPY).

The authoritative reference and input builder live on the scoring server;
editing this copy changes nothing except your own understanding.
"""

import jax, jax.numpy as jnp
import numpy as np

NUM_INSTANCE = 16384
FEAT_LEN = 768
BATCH = 8192
RESIZED_NUM = 10000

def _normalize(x, axis=1, eps=1e-12):
    n = jnp.sqrt(jnp.sum(x * x, axis=axis, keepdims=True))
    return x / jnp.maximum(n, eps)

def setup_inputs(seed: int = 0) -> dict:
    key = jax.random.key(seed)
    k1, k2, k3, k4 = jax.random.split(key, 4)
    vis_feat = jax.random.normal(k1, (BATCH, FEAT_LEN), dtype=jnp.float32)
    lag_feat = jax.random.normal(k2, (BATCH, FEAT_LEN), dtype=jnp.float32)
    # registered buffers: uniform [0,1) then L2-normalized rows
    vis_memory_queue = _normalize(jax.random.uniform(k3, (NUM_INSTANCE, FEAT_LEN), dtype=jnp.float32), axis=1)
    lag_memory_queue = _normalize(jax.random.uniform(k4, (NUM_INSTANCE, FEAT_LEN), dtype=jnp.float32), axis=1)
    return {
        "vis_feat": vis_feat,
        "lag_feat": lag_feat,
        "vis_memory_queue": vis_memory_queue,
        "lag_memory_queue": lag_memory_queue,
    }

def reference(vis_feat, lag_feat, vis_memory_queue, lag_memory_queue):
    # Single-rank emulation of undefined_l_gather: world_size == 1, so the
    # all_gather returns the local features truncated to resized_num rows.
    pos_num = min(vis_feat.shape[0], RESIZED_NUM)
    vis_gather = vis_feat[:pos_num]
    lag_gather = lag_feat[:pos_num]
    # Circular-buffer scatter-overwrite starting at tail = 0.
    # The torch loop writes row indx of the gathered batch to slot
    # (tail + indx) mod queue_size; with distinct slots this is a single
    # scatter .at[idx].set (later duplicates would win, matching the loop
    # order only when pos_num <= queue_size, which holds here).
    queue_size = vis_memory_queue.shape[0]
    idx = jnp.arange(pos_num, dtype=jnp.int32) % queue_size
    new_vis = vis_memory_queue.at[idx].set(vis_gather)
    new_lag = lag_memory_queue.at[idx].set(lag_gather)
    return (new_vis, new_lag)

if __name__ == "__main__":
    import jax
    _d = setup_inputs()
    print(jax.jit(kernel)(*tuple(_d.values())))

</pallas_src>

<mosaic_0001>
#map = affine_map<(d0) -> (0, 0)>
module attributes {stable_mosaic.version = 14 : i64} {
  func.func @body(%arg0: i32, %arg1: memref<8192x768xf32, #tpu.memory_space<hbm>>, %arg2: memref<16384x768xf32, #tpu.memory_space<hbm>>, %arg3: memref<16384x768xf32, #tpu.memory_space<hbm>>, %arg4: memref<8x256x768xf32, #tpu.memory_space<vmem_shared>>, %arg5: memref<8x!tpu.dma_semaphore, #tpu.memory_space<semaphore_mem>>, %arg6: memref<8x!tpu.dma_semaphore, #tpu.memory_space<semaphore_mem>>) attributes {dimension_semantics = [#tpu.dimension_semantics<core_parallel>], iteration_bounds = array<i64: 2>, scalar_prefetch = 0 : i64, scratch_operands = 3 : i64, tpu.core_type = #tpu.core_type<sc_scalar_subcore>, window_params = [{transform_indices = #map}, {transform_indices = #map}, {transform_indices = #map}]} {
    %mul3A = arith.constant 8192 : i32
    %mul3A_0 = arith.muli %arg0, %mul3A : i32
    %eq3A = arith.constant 0 : i32
    %eq3A_1 = arith.cmpi eq, %arg0, %eq3A : i32
    %convert_element_type3A = arith.extui %eq3A_1 : i1 to i32
    %cond3A = arith.constant 0 : i32
    %cond3A_2 = arith.cmpi ne, %convert_element_type3A, %cond3A : i32
    scf.if %cond3A_2 {
      %rem3A = arith.constant 0 : i32
      %rem3A_8 = arith.constant 8 : i32
      %rem3A_9 = arith.remsi %rem3A, %rem3A_8 : i32
      %add3A = arith.constant 0 : i32
      %add3A_10 = arith.addi %mul3A_0, %add3A : i32
      %dma_start3A = tpu.memref_slice %arg5[%rem3A_9] : memref<8x!tpu.dma_semaphore, #tpu.memory_space<semaphore_mem>> -> memref<1x!tpu.dma_semaphore, #tpu.memory_space<semaphore_mem>>
      %dma_start3A_11 = tpu.memref_squeeze %dma_start3A : memref<1x!tpu.dma_semaphore, #tpu.memory_space<semaphore_mem>> -> memref<!tpu.dma_semaphore, #tpu.memory_space<semaphore_mem>>
      %dma_start3A_12 = arith.constant 0 : i32
      %dma_start3A_13 = arith.constant 0 : i32
      %dma_start3A_14 = tpu.memref_slice %arg4[%rem3A_9, %dma_start3A_12, %dma_start3A_13] : memref<8x256x768xf32, #tpu.memory_space<vmem_shared>> -> memref<1x256x768xf32, #tpu.memory_space<vmem_shared>>
      %dma_start3A_15 = tpu.memref_squeeze %dma_start3A_14 : memref<1x256x768xf32, #tpu.memory_space<vmem_shared>> -> memref<256x768xf32, #tpu.memory_space<vmem_shared>>
      %dma_start3A_16 = arith.constant 0 : i32
      %dma_start3A_17 = tpu.memref_slice %arg1[%add3A_10, %dma_start3A_16] : memref<8192x768xf32, #tpu.memory_space<hbm>> -> memref<256x768xf32, #tpu.memory_space<hbm>>
      tpu.enqueue_dma source(%dma_start3A_17 : memref<256x768xf32, #tpu.memory_space<hbm>>) target(%dma_start3A_15 : memref<256x768xf32, #tpu.memory_space<vmem_shared>>) target_semaphore(%dma_start3A_11 : memref<!tpu.dma_semaphore, #tpu.memory_space<semaphore_mem>>)
      %rem3A_18 = arith.constant 1 : i32
      %rem3A_19 = arith.constant 8 : i32
      %rem3A_20 = arith.remsi %rem3A_18, %rem3A_19 : i32
      %add3A_21 = arith.constant 256 : i32
      %add3A_22 = arith.addi %mul3A_0, %add3A_21 : i32
      %dma_start3A_23 = tpu.memref_slice %arg5[%rem3A_20] : memref<8x!tpu.dma_semaphore, #tpu.memory_space<semaphore_mem>> -> memref<1x!tpu.dma_semaphore, #tpu.memory_space<semaphore_mem>>
      %dma_start3A_24 = tpu.memref_squeeze %dma_start3A_23 : memref<1x!tpu.dma_semaphore, #tpu.memory_space<semaphore_mem>> -> memref<!tpu.dma_semaphore, #tpu.memory_space<semaphore_mem>>
      %dma_start3A_25 = arith.constant 0 : i32
      %dma_start3A_26 = arith.constant 0 : i32
      %dma_start3A_27 = tpu.memref_slice %arg4[%rem3A_20, %dma_start3A_25, %dma_start3A_26] : memref<8x256x768xf32, #tpu.memory_space<vmem_shared>> -> memref<1x256x768xf32, #tpu.memory_space<vmem_shared>>
      %dma_start3A_28 = tpu.memref_squeeze %dma_start3A_27 : memref<1x256x768xf32, #tpu.memory_space<vmem_shared>> -> memref<256x768xf32, #tpu.memory_space<vmem_shared>>
      %dma_start3A_29 = arith.constant 0 : i32
      %dma_start3A_30 = tpu.memref_slice %arg1[%add3A_22, %dma_start3A_29] : memref<8192x768xf32, #tpu.memory_space<hbm>> -> memref<256x768xf32, #tpu.memory_space<hbm>>
      tpu.enqueue_dma source(%dma_start3A_30 : memref<256x768xf32, #tpu.memory_space<hbm>>) target(%dma_start3A_28 : memref<256x768xf32, #tpu.memory_space<vmem_shared>>) target_semaphore(%dma_start3A_24 : memref<!tpu.dma_semaphore, #tpu.memory_space<semaphore_mem>>)
      %rem3A_31 = arith.constant 2 : i32
      %rem3A_32 = arith.constant 8 : i32
      %rem3A_33 = arith.remsi %rem3A_31, %rem3A_32 : i32
      %add3A_34 = arith.constant 512 : i32
      %add3A_35 = arith.addi %mul3A_0, %add3A_34 : i32
      %dma_start3A_36 = tpu.memref_slice %arg5[%rem3A_33] : memref<8x!tpu.dma_semaphore, #tpu.memory_space<semaphore_mem>> -> memref<1x!tpu.dma_semaphore, #tpu.memory_space<semaphore_mem>>
      %dma_start3A_37 = tpu.memref_squeeze %dma_start3A_36 : memref<1x!tpu.dma_semaphore, #tpu.memory_space<semaphore_mem>> -> memref<!tpu.dma_semaphore, #tpu.memory_space<semaphore_mem>>
      %dma_start3A_38 = arith.constant 0 : i32
      %dma_start3A_39 = arith.constant 0 : i32
      %dma_start3A_40 = tpu.memref_slice %arg4[%rem3A_33, %dma_start3A_38, %dma_start3A_39] : memref<8x256x768xf32, #tpu.memory_space<vmem_shared>> -> memref<1x256x768xf32, #tpu.memory_space<vmem_shared>>
      %dma_start3A_41 = tpu.memref_squeeze %dma_start3A_40 : memref<1x256x768xf32, #tpu.memory_space<vmem_shared>> -> memref<256x768xf32, #tpu.memory_space<vmem_shared>>
      %dma_start3A_42 = arith.constant 0 : i32
      %dma_start3A_43 = tpu.memref_slice %arg1[%add3A_35, %dma_start3A_42] : memref<8192x768xf32, #tpu.memory_space<hbm>> -> memref<256x768xf32, #tpu.memory_space<hbm>>
      tpu.enqueue_dma source(%dma_start3A_43 : memref<256x768xf32, #tpu.memory_space<hbm>>) target(%dma_start3A_41 : memref<256x768xf32, #tpu.memory_space<vmem_shared>>) target_semaphore(%dma_start3A_37 : memref<!tpu.dma_semaphore, #tpu.memory_space<semaphore_mem>>)
      %rem3A_44 = arith.constant 3 : i32
      %rem3A_45 = arith.constant 8 : i32
      %rem3A_46 = arith.remsi %rem3A_44, %rem3A_45 : i32
      %add3A_47 = arith.constant 768 : i32
      %add3A_48 = arith.addi %mul3A_0, %add3A_47 : i32
      %dma_start3A_49 = tpu.memref_slice %arg5[%rem3A_46] : memref<8x!tpu.dma_semaphore, #tpu.memory_space<semaphore_mem>> -> memref<1x!tpu.dma_semaphore, #tpu.memory_space<semaphore_mem>>
      %dma_start3A_50 = tpu.memref_squeeze %dma_start3A_49 : memref<1x!tpu.dma_semaphore, #tpu.memory_space<semaphore_mem>> -> memref<!tpu.dma_semaphore, #tpu.memory_space<semaphore_mem>>
      %dma_start3A_51 = arith.constant 0 : i32
      %dma_start3A_52 = arith.constant 0 : i32
      %dma_start3A_53 = tpu.memref_slice %arg4[%rem3A_46, %dma_start3A_51, %dma_start3A_52] : memref<8x256x768xf32, #tpu.memory_space<vmem_shared>> -> memref<1x256x768xf32, #tpu.memory_space<vmem_shared>>
      %dma_start3A_54 = tpu.memref_squeeze %dma_start3A_53 : memref<1x256x768xf32, #tpu.memory_space<vmem_shared>> -> memref<256x768xf32, #tpu.memory_space<vmem_shared>>
      %dma_start3A_55 = arith.constant 0 : i32
      %dma_start3A_56 = tpu.memref_slice %arg1[%add3A_48, %dma_start3A_55] : memref<8192x768xf32, #tpu.memory_space<hbm>> -> memref<256x768xf32, #tpu.memory_space<hbm>>
      tpu.enqueue_dma source(%dma_start3A_56 : memref<256x768xf32, #tpu.memory_space<hbm>>) target(%dma_start3A_54 : memref<256x768xf32, #tpu.memory_space<vmem_shared>>) target_semaphore(%dma_start3A_50 : memref<!tpu.dma_semaphore, #tpu.memory_space<semaphore_mem>>)
      %scan3A = arith.constant 0 : i32
      %scan3A_57 = arith.constant 0 : i32
      %scan3A_58 = arith.constant 32 : i32
      %scan3A_59 = arith.addi %scan3A_57, %scan3A_58 : i32
      %scan3A_60 = arith.constant 1 : i32
      scf.for %scan3A_165 = %scan3A_57 to %scan3A_59 step %scan3A_60  : i32 {
        %rem3A_166 = arith.constant 8 : i32
        %rem3A_167 = arith.remsi %scan3A_165, %rem3A_166 : i32
        %mul3A_168 = arith.constant 256 : i32
        %mul3A_169 = arith.muli %scan3A_165, %mul3A_168 : i32
        %add3A_170 = arith.addi %mul3A_0, %mul3A_169 : i32
        %dma_wait3A_171 = tpu.memref_slice %arg5[%rem3A_167] : memref<8x!tpu.dma_semaphore, #tpu.memory_space<semaphore_mem>> -> memref<1x!tpu.dma_semaphore, #tpu.memory_space<semaphore_mem>>
        %dma_wait3A_172 = tpu.memref_squeeze %dma_wait3A_171 : memref<1x!tpu.dma_semaphore, #tpu.memory_space<semaphore_mem>> -> memref<!tpu.dma_semaphore, #tpu.memory_space<semaphore_mem>>
        %dma_wait3A_173 = arith.constant 0 : i32
        %dma_wait3A_174 = arith.constant 0 : i32
        %dma_wait3A_175 = tpu.memref_slice %arg4[%rem3A_167, %dma_wait3A_173, %dma_wait3A_174] : memref<8x256x768xf32, #tpu.memory_space<vmem_shared>> -> memref<1x256x768xf32, #tpu.memory_space<vmem_shared>>
        %dma_wait3A_176 = tpu.memref_squeeze %dma_wait3A_175 : memref<1x256x768xf32, #tpu.memory_space<vmem_shared>> -> memref<256x768xf32, #tpu.memory_space<vmem_shared>>
        %dma_wait3A_177 = arith.constant 0 : i32
        %dma_wait3A_178 = tpu.memref_slice %arg1[%add3A_170, %dma_wait3A_177] : memref<8192x768xf32, #tpu.memory_space<hbm>> -> memref<256x768xf32, #tpu.memory_space<hbm>>
        tpu.wait_dma2 semaphore(%dma_wait3A_172 : memref<!tpu.dma_semaphore, #tpu.memory_space<semaphore_mem>>) src(%dma_wait3A_178 : memref<256x768xf32, #tpu.memory_space<hbm>>) dst(%dma_wait3A_176 : memref<256x768xf32, #tpu.memory_space<vmem_shared>>)
        %rem3A_179 = arith.constant 8 : i32
        %rem3A_180 = arith.remsi %scan3A_165, %rem3A_179 : i32
        %mul3A_181 = arith.constant 256 : i32
        %mul3A_182 = arith.muli %scan3A_165, %mul3A_181 : i32
        %add3A_183 = arith.addi %mul3A_0, %mul3A_182 : i32
        %dma_start3A_184 = tpu.memref_slice %arg6[%rem3A_180] : memref<8x!tpu.dma_semaphore, #tpu.memory_space<semaphore_mem>> -> memref<1x!tpu.dma_semaphore, #tpu.memory_space<semaphore_mem>>
        %dma_start3A_185 = tpu.memref_squeeze %dma_start3A_184 : memref<1x!tpu.dma_semaphore, #tpu.memory_space<semaphore_mem>> -> memref<!tpu.dma_semaphore, #tpu.memory_space<semaphore_mem>>
        %dma_start3A_186 = arith.constant 0 : i32
        %dma_start3A_187 = tpu.memref_slice %arg3[%add3A_183, %dma_start3A_186] : memref<16384x768xf32, #tpu.memory_space<hbm>> -> memref<256x768xf32, #tpu.memory_space<hbm>>
        %dma_start3A_188 = arith.constant 0 : i32
        %dma_start3A_189 = arith.constant 0 : i32
        %dma_start3A_190 = tpu.memref_slice %arg4[%rem3A_180, %dma_start3A_188, %dma_start3A_189] : memref<8x256x768xf32, #tpu.memory_space<vmem_shared>> -> memref<1x256x768xf32, #tpu.memory_space<vmem_shared>>
        %dma_start3A_191 = tpu.memref_squeeze %dma_start3A_190 : memref<1x256x768xf32, #tpu.memory_space<vmem_shared>> -> memref<256x768xf32, #tpu.memory_space<vmem_shared>>
        tpu.enqueue_dma source(%dma_start3A_191 : memref<256x768xf32, #tpu.memory_space<vmem_shared>>) target(%dma_start3A_187 : memref<256x768xf32, #tpu.memory_space<hbm>>) target_semaphore(%dma_start3A_185 : memref<!tpu.dma_semaphore, #tpu.memory_space<semaphore_mem>>)
        %add3A_192 = arith.constant 4 : i32
        %add3A_193 = arith.addi %scan3A_165, %add3A_192 : i32
        %lt3A = arith.constant 32 : i32
        %lt3A_194 = arith.cmpi slt, %add3A_193, %lt3A : i32
        %convert_element_type3A_195 = arith.extui %lt3A_194 : i1 to i32
        %cond3A_196 = arith.constant 0 : i32
        %cond3A_197 = arith.cmpi ne, %convert_element_type3A_195, %cond3A_196 : i32
        scf.if %cond3A_197 {
          %ge3A = arith.constant 8 : i32
          %ge3A_198 = arith.cmpi sge, %add3A_193, %ge3A : i32
          %convert_element_type3A_199 = arith.extui %ge3A_198 : i1 to i32
          %cond3A_200 = arith.constant 0 : i32
          %cond3A_201 = arith.cmpi ne, %convert_element_type3A_199, %cond3A_200 : i32
          scf.if %cond3A_201 {
            %sub3A = arith.constant 8 : i32
            %sub3A_215 = arith.subi %add3A_193, %sub3A : i32
            %rem3A_216 = arith.constant 8 : i32
            %rem3A_217 = arith.remsi %sub3A_215, %rem3A_216 : i32
            %mul3A_218 = arith.constant 256 : i32
            %mul3A_219 = arith.muli %sub3A_215, %mul3A_218 : i32
            %add3A_220 = arith.addi %mul3A_0, %mul3A_219 : i32
            %dma_wait3A_221 = tpu.memref_slice %arg6[%rem3A_217] : memref<8x!tpu.dma_semaphore, #tpu.memory_space<semaphore_mem>> -> memref<1x!tpu.dma_semaphore, #tpu.memory_space<semaphore_mem>>
            %dma_wait3A_222 = tpu.memref_squeeze %dma_wait3A_221 : memref<1x!tpu.dma_semaphore, #tpu.memory_space<semaphore_mem>> -> memref<!tpu.dma_semaphore, #tpu.memory_space<semaphore_mem>>
            %dma_wait3A_223 = arith.constant 0 : i32
            %dma_wait3A_224 = tpu.memref_slice %arg3[%add3A_220, %dma_wait3A_223] : memref<16384x768xf32, #tpu.memory_space<hbm>> -> memref<256x768xf32, #tpu.memory_space<hbm>>
            %dma_wait3A_225 = arith.constant 0 : i32
            %dma_wait3A_226 = arith.constant 0 : i32
            %dma_wait3A_227 = tpu.memref_slice %arg4[%rem3A_217, %dma_wait3A_225, %dma_wait3A_226] : memref<8x256x768xf32, #tpu.memory_space<vmem_shared>> -> memref<1x256x768xf32, #tpu.memory_space<vmem_shared>>
            %dma_wait3A_228 = tpu.memref_squeeze %dma_wait3A_227 : memref<1x256x768xf32, #tpu.memory_space<vmem_shared>> -> memref<256x768xf32, #tpu.memory_space<vmem_shared>>
            tpu.wait_dma2 semaphore(%dma_wait3A_222 : memref<!tpu.dma_semaphore, #tpu.memory_space<semaphore_mem>>) src(%dma_wait3A_228 : memref<256x768xf32, #tpu.memory_space<vmem_shared>>) dst(%dma_wait3A_224 : memref<256x768xf32, #tpu.memory_space<hbm>>)
          } else {
          }
          %rem3A_202 = arith.constant 8 : i32
          %rem3A_203 = arith.remsi %add3A_193, %rem3A_202 : i32
          %mul3A_204 = arith.constant 256 : i32
          %mul3A_205 = arith.muli %add3A_193, %mul3A_204 : i32
          %add3A_206 = arith.addi %mul3A_0, %mul3A_205 : i32
          %dma_start3A_207 = tpu.memref_slice %arg5[%rem3A_203] : memref<8x!tpu.dma_semaphore, #tpu.memory_space<semaphore_mem>> -> memref<1x!tpu.dma_semaphore, #tpu.memory_space<semaphore_mem>>
          %dma_start3A_208 = tpu.memref_squeeze %dma_start3A_207 : memref<1x!tpu.dma_semaphore, #tpu.memory_space<semaphore_mem>> -> memref<!tpu.dma_semaphore, #tpu.memory_space<semaphore_mem>>
          %dma_start3A_209 = arith.constant 0 : i32
          %dma_start3A_210 = arith.constant 0 : i32
          %dma_start3A_211 = tpu.memref_slice %arg4[%rem3A_203, %dma_start3A_209, %dma_start3A_210] : memref<8x256x768xf32, #tpu.memory_space<vmem_shared>> -> memref<1x256x768xf32, #tpu.memory_space<vmem_shared>>
          %dma_start3A_212 = tpu.memref_squeeze %dma_start3A_211 : memref<1x256x768xf32, #tpu.memory_space<vmem_shared>> -> memref<256x768xf32, #tpu.memory_space<vmem_shared>>
          %dma_start3A_213 = arith.constant 0 : i32
          %dma_start3A_214 = tpu.memref_slice %arg1[%add3A_206, %dma_start3A_213] : memref<8192x768xf32, #tpu.memory_space<hbm>> -> memref<256x768xf32, #tpu.memory_space<hbm>>
          tpu.enqueue_dma source(%dma_start3A_214 : memref<256x768xf32, #tpu.memory_space<hbm>>) target(%dma_start3A_212 : memref<256x768xf32, #tpu.memory_space<vmem_shared>>) target_semaphore(%dma_start3A_208 : memref<!tpu.dma_semaphore, #tpu.memory_space<semaphore_mem>>)
        } else {
        }
      }
      %scan3A_61 = arith.constant 32 : i32
      %rem3A_62 = arith.constant 24 : i32
      %rem3A_63 = arith.constant 8 : i32
      %rem3A_64 = arith.remsi %rem3A_62, %rem3A_63 : i32
      %add3A_65 = arith.constant 6144 : i32
      %add3A_66 = arith.addi %mul3A_0, %add3A_65 : i32
      %dma_wait3A = tpu.memref_slice %arg6[%rem3A_64] : memref<8x!tpu.dma_semaphore, #tpu.memory_space<semaphore_mem>> -> memref<1x!tpu.dma_semaphore, #tpu.memory_space<semaphore_mem>>
      %dma_wait3A_67 = tpu.memref_squeeze %dma_wait3A : memref<1x!tpu.dma_semaphore, #tpu.memory_space<semaphore_mem>> -> memref<!tpu.dma_semaphore, #tpu.memory_space<semaphore_mem>>
      %dma_wait3A_68 = arith.constant 0 : i32
      %dma_wait3A_69 = tpu.memref_slice %arg3[%add3A_66, %dma_wait3A_68] : memref<16384x768xf32, #tpu.memory_space<hbm>> -> memref<256x768xf32, #tpu.memory_space<hbm>>
      %dma_wait3A_70 = arith.constant 0 : i32
      %dma_wait3A_71 = arith.constant 0 : i32
      %dma_wait3A_72 = tpu.memref_slice %arg4[%rem3A_64, %dma_wait3A_70, %dma_wait3A_71] : memref<8x256x768xf32, #tpu.memory_space<vmem_shared>> -> memref<1x256x768xf32, #tpu.memory_space<vmem_shared>>
      %dma_wait3A_73 = tpu.memref_squeeze %dma_wait3A_72 : memref<1x256x768xf32, #tpu.memory_space<vmem_shared>> -> memref<256x768xf32, #tpu.memory_space<vmem_shared>>
      tpu.wait_dma2 semaphore(%dma_wait3A_67 : memref<!tpu.dma_semaphore, #tpu.memory_space<semaphore_mem>>) src(%dma_wait3A_73 : memref<256x768xf32, #tpu.memory_space<vmem_shared>>) dst(%dma_wait3A_69 : memref<256x768xf32, #tpu.memory_space<hbm>>)
      %rem3A_74 = arith.constant 25 : i32
      %rem3A_75 = arith.constant 8 : i32
      %rem3A_76 = arith.remsi %rem3A_74, %rem3A_75 : i32
      %add3A_77 = arith.constant 6400 : i32
      %add3A_78 = arith.addi %mul3A_0, %add3A_77 : i32
      %dma_wait3A_79 = tpu.memref_slice %arg6[%rem3A_76] : memref<8x!tpu.dma_semaphore, #tpu.memory_space<semaphore_mem>> -> memref<1x!tpu.dma_semaphore, #tpu.memory_space<semaphore_mem>>
      %dma_wait3A_80 = tpu.memref_squeeze %dma_wait3A_79 : memref<1x!tpu.dma_semaphore, #tpu.memory_space<semaphore_mem>> -> memref<!tpu.dma_semaphore, #tpu.memory_space<semaphore_mem>>
      %dma_wait3A_81 = arith.constant 0 : i32
      %dma_wait3A_82 = tpu.memref_slice %arg3[%add3A_78, %dma_wait3A_81] : memref<16384x768xf32, #tpu.memory_space<hbm>> -> memref<256x768xf32, #tpu.memory_space<hbm>>
      %dma_wait3A_83 = arith.constant 0 : i32
      %dma_wait3A_84 = arith.constant 0 : i32
      %dma_wait3A_85 = tpu.memref_slice %arg4[%rem3A_76, %dma_wait3A_83, %dma_wait3A_84] : memref<8x256x768xf32, #tpu.memory_space<vmem_shared>> -> memref<1x256x768xf32, #tpu.memory_space<vmem_shared>>
      %dma_wait3A_86 = tpu.memref_squeeze %dma_wait3A_85 : memref<1x256x768xf32, #tpu.memory_space<vmem_shared>> -> memref<256x768xf32, #tpu.memory_space<vmem_shared>>
      tpu.wait_dma2 semaphore(%dma_wait3A_80 : memref<!tpu.dma_semaphore, #tpu.memory_space<semaphore_mem>>) src(%dma_wait3A_86 : memref<256x768xf32, #tpu.memory_space<vmem_shared>>) dst(%dma_wait3A_82 : memref<256x768xf32, #tpu.memory_space<hbm>>)
      %rem3A_87 = arith.constant 26 : i32
      %rem3A_88 = arith.constant 8 : i32
      %rem3A_89 = arith.remsi %rem3A_87, %rem3A_88 : i32
      %add3A_90 = arith.constant 6656 : i32
      %add3A_91 = arith.addi %mul3A_0, %add3A_90 : i32
      %dma_wait3A_92 = tpu.memref_slice %arg6[%rem3A_89] : memref<8x!tpu.dma_semaphore, #tpu.memory_space<semaphore_mem>> -> memref<1x!tpu.dma_semaphore, #tpu.memory_space<semaphore_mem>>
      %dma_wait3A_93 = tpu.memref_squeeze %dma_wait3A_92 : memref<1x!tpu.dma_semaphore, #tpu.memory_space<semaphore_mem>> -> memref<!tpu.dma_semaphore, #tpu.memory_space<semaphore_mem>>
      %dma_wait3A_94 = arith.constant 0 : i32
      %dma_wait3A_95 = tpu.memref_slice %arg3[%add3A_91, %dma_wait3A_94] : memref<16384x768xf32, #tpu.memory_space<hbm>> -> memref<256x768xf32, #tpu.memory_space<hbm>>
      %dma_wait3A_96 = arith.constant 0 : i32
      %dma_wait3A_97 = arith.constant 0 : i32
      %dma_wait3A_98 = tpu.memref_slice %arg4[%rem3A_89, %dma_wait3A_96, %dma_wait3A_97] : memref<8x256x768xf32, #tpu.memory_space<vmem_shared>> -> memref<1x256x768xf32, #tpu.memory_space<vmem_shared>>
      %dma_wait3A_99 = tpu.memref_squeeze %dma_wait3A_98 : memref<1x256x768xf32, #tpu.memory_space<vmem_shared>> -> memref<256x768xf32, #tpu.memory_space<vmem_shared>>
      tpu.wait_dma2 semaphore(%dma_wait3A_93 : memref<!tpu.dma_semaphore, #tpu.memory_space<semaphore_mem>>) src(%dma_wait3A_99 : memref<256x768xf32, #tpu.memory_space<vmem_shared>>) dst(%dma_wait3A_95 : memref<256x768xf32, #tpu.memory_space<hbm>>)
      %rem3A_100 = arith.constant 27 : i32
      %rem3A_101 = arith.constant 8 : i32
      %rem3A_102 = arith.remsi %rem3A_100, %rem3A_101 : i32
      %add3A_103 = arith.constant 6912 : i32
      %add3A_104 = arith.addi %mul3A_0, %add3A_103 : i32
      %dma_wait3A_105 = tpu.memref_slice %arg6[%rem3A_102] : memref<8x!tpu.dma_semaphore, #tpu.memory_space<semaphore_mem>> -> memref<1x!tpu.dma_semaphore, #tpu.memory_space<semaphore_mem>>
      %dma_wait3A_106 = tpu.memref_squeeze %dma_wait3A_105 : memref<1x!tpu.dma_semaphore, #tpu.memory_space<semaphore_mem>> -> memref<!tpu.dma_semaphore, #tpu.memory_space<semaphore_mem>>
      %dma_wait3A_107 = arith.constant 0 : i32
      %dma_wait3A_108 = tpu.memref_slice %arg3[%add3A_104, %dma_wait3A_107] : memref<16384x768xf32, #tpu.memory_space<hbm>> -> memref<256x768xf32, #tpu.memory_space<hbm>>
      %dma_wait3A_109 = arith.constant 0 : i32
      %dma_wait3A_110 = arith.constant 0 : i32
      %dma_wait3A_111 = tpu.memref_slice %arg4[%rem3A_102, %dma_wait3A_109, %dma_wait3A_110] : memref<8x256x768xf32, #tpu.memory_space<vmem_shared>> -> memref<1x256x768xf32, #tpu.memory_space<vmem_shared>>
      %dma_wait3A_112 = tpu.memref_squeeze %dma_wait3A_111 : memref<1x256x768xf32, #tpu.memory_space<vmem_shared>> -> memref<256x768xf32, #tpu.memory_space<vmem_shared>>
      tpu.wait_dma2 semaphore(%dma_wait3A_106 : memref<!tpu.dma_semaphore, #tpu.memory_space<semaphore_mem>>) src(%dma_wait3A_112 : memref<256x768xf32, #tpu.memory_space<vmem_shared>>) dst(%dma_wait3A_108 : memref<256x768xf32, #tpu.memory_space<hbm>>)
      %rem3A_113 = arith.constant 28 : i32
      %rem3A_114 = arith.constant 8 : i32
      %rem3A_115 = arith.remsi %rem3A_113, %rem3A_114 : i32
      %add3A_116 = arith.constant 7168 : i32
      %add3A_117 = arith.addi %mul3A_0, %add3A_116 : i32
      %dma_wait3A_118 = tpu.memref_slice %arg6[%rem3A_115] : memref<8x!tpu.dma_semaphore, #tpu.memory_space<semaphore_mem>> -> memref<1x!tpu.dma_semaphore, #tpu.memory_space<semaphore_mem>>
      %dma_wait3A_119 = tpu.memref_squeeze %dma_wait3A_118 : memref<1x!tpu.dma_semaphore, #tpu.memory_space<semaphore_mem>> -> memref<!tpu.dma_semaphore, #tpu.memory_space<semaphore_mem>>
      %dma_wait3A_120 = arith.constant 0 : i32
      %dma_wait3A_121 = tpu.memref_slice %arg3[%add3A_117, %dma_wait3A_120] : memref<16384x768xf32, #tpu.memory_space<hbm>> -> memref<256x768xf32, #tpu.memory_space<hbm>>
      %dma_wait3A_122 = arith.constant 0 : i32
      %dma_wait3A_123 = arith.constant 0 : i32
      %dma_wait3A_124 = tpu.memref_slice %arg4[%rem3A_115, %dma_wait3A_122, %dma_wait3A_123] : memref<8x256x768xf32, #tpu.memory_space<vmem_shared>> -> memref<1x256x768xf32, #tpu.memory_space<vmem_shared>>
      %dma_wait3A_125 = tpu.memref_squeeze %dma_wait3A_124 : memref<1x256x768xf32, #tpu.memory_space<vmem_shared>> -> memref<256x768xf32, #tpu.memory_space<vmem_shared>>
      tpu.wait_dma2 semaphore(%dma_wait3A_119 : memref<!tpu.dma_semaphore, #tpu.memory_space<semaphore_mem>>) src(%dma_wait3A_125 : memref<256x768xf32, #tpu.memory_space<vmem_shared>>) dst(%dma_wait3A_121 : memref<256x768xf32, #tpu.memory_space<hbm>>)
      %rem3A_126 = arith.constant 29 : i32
      %rem3A_127 = arith.constant 8 : i32
      %rem3A_128 = arith.remsi %rem3A_126, %rem3A_127 : i32
      %add3A_129 = arith.constant 7424 : i32
      %add3A_130 = arith.addi %mul3A_0, %add3A_129 : i32
      %dma_wait3A_131 = tpu.memref_slice %arg6[%rem3A_128] : memref<8x!tpu.dma_semaphore, #tpu.memory_space<semaphore_mem>> -> memref<1x!tpu.dma_semaphore, #tpu.memory_space<semaphore_mem>>
      %dma_wait3A_132 = tpu.memref_squeeze %dma_wait3A_131 : memref<1x!tpu.dma_semaphore, #tpu.memory_space<semaphore_mem>> -> memref<!tpu.dma_semaphore, #tpu.memory_space<semaphore_mem>>
      %dma_wait3A_133 = arith.constant 0 : i32
      %dma_wait3A_134 = tpu.memref_slice %arg3[%add3A_130, %dma_wait3A_133] : memref<16384x768xf32, #tpu.memory_space<hbm>> -> memref<256x768xf32, #tpu.memory_space<hbm>>
      %dma_wait3A_135 = arith.constant 0 : i32
      %dma_wait3A_136 = arith.constant 0 : i32
      %dma_wait3A_137 = tpu.memref_slice %arg4[%rem3A_128, %dma_wait3A_135, %dma_wait3A_136] : memref<8x256x768xf32, #tpu.memory_space<vmem_shared>> -> memref<1x256x768xf32, #tpu.memory_space<vmem_shared>>
      %dma_wait3A_138 = tpu.memref_squeeze %dma_wait3A_137 : memref<1x256x768xf32, #tpu.memory_space<vmem_shared>> -> memref<256x768xf32, #tpu.memory_space<vmem_shared>>
      tpu.wait_dma2 semaphore(%dma_wait3A_132 : memref<!tpu.dma_semaphore, #tpu.memory_space<semaphore_mem>>) src(%dma_wait3A_138 : memref<256x768xf32, #tpu.memory_space<vmem_shared>>) dst(%dma_wait3A_134 : memref<256x768xf32, #tpu.memory_space<hbm>>)
      %rem3A_139 = arith.constant 30 : i32
      %rem3A_140 = arith.constant 8 : i32
      %rem3A_141 = arith.remsi %rem3A_139, %rem3A_140 : i32
      %add3A_142 = arith.constant 7680 : i32
      %add3A_143 = arith.addi %mul3A_0, %add3A_142 : i32
      %dma_wait3A_144 = tpu.memref_slice %arg6[%rem3A_141] : memref<8x!tpu.dma_semaphore, #tpu.memory_space<semaphore_mem>> -> memref<1x!tpu.dma_semaphore, #tpu.memory_space<semaphore_mem>>
      %dma_wait3A_145 = tpu.memref_squeeze %dma_wait3A_144 : memref<1x!tpu.dma_semaphore, #tpu.memory_space<semaphore_mem>> -> memref<!tpu.dma_semaphore, #tpu.memory_space<semaphore_mem>>
      %dma_wait3A_146 = arith.constant 0 : i32
      %dma_wait3A_147 = tpu.memref_slice %arg3[%add3A_143, %dma_wait3A_146] : memref<16384x768xf32, #tpu.memory_space<hbm>> -> memref<256x768xf32, #tpu.memory_space<hbm>>
      %dma_wait3A_148 = arith.constant 0 : i32
      %dma_wait3A_149 = arith.constant 0 : i32
      %dma_wait3A_150 = tpu.memref_slice %arg4[%rem3A_141, %dma_wait3A_148, %dma_wait3A_149] : memref<8x256x768xf32, #tpu.memory_space<vmem_shared>> -> memref<1x256x768xf32, #tpu.memory_space<vmem_shared>>
      %dma_wait3A_151 = tpu.memref_squeeze %dma_wait3A_150 : memref<1x256x768xf32, #tpu.memory_space<vmem_shared>> -> memref<256x768xf32, #tpu.memory_space<vmem_shared>>
      tpu.wait_dma2 semaphore(%dma_wait3A_145 : memref<!tpu.dma_semaphore, #tpu.memory_space<semaphore_mem>>) src(%dma_wait3A_151 : memref<256x768xf32, #tpu.memory_space<vmem_shared>>) dst(%dma_wait3A_147 : memref<256x768xf32, #tpu.memory_space<hbm>>)
      %rem3A_152 = arith.constant 31 : i32
      %rem3A_153 = arith.constant 8 : i32
      %rem3A_154 = arith.remsi %rem3A_152, %rem3A_153 : i32
      %add3A_155 = arith.constant 7936 : i32
      %add3A_156 = arith.addi %mul3A_0, %add3A_155 : i32
      %dma_wait3A_157 = tpu.memref_slice %arg6[%rem3A_154] : memref<8x!tpu.dma_semaphore, #tpu.memory_space<semaphore_mem>> -> memref<1x!tpu.dma_semaphore, #tpu.memory_space<semaphore_mem>>
      %dma_wait3A_158 = tpu.memref_squeeze %dma_wait3A_157 : memref<1x!tpu.dma_semaphore, #tpu.memory_space<semaphore_mem>> -> memref<!tpu.dma_semaphore, #tpu.memory_space<semaphore_mem>>
      %dma_wait3A_159 = arith.constant 0 : i32
      %dma_wait3A_160 = tpu.memref_slice %arg3[%add3A_156, %dma_wait3A_159] : memref<16384x768xf32, #tpu.memory_space<hbm>> -> memref<256x768xf32, #tpu.memory_space<hbm>>
      %dma_wait3A_161 = arith.constant 0 : i32
      %dma_wait3A_162 = arith.constant 0 : i32
      %dma_wait3A_163 = tpu.memref_slice %arg4[%rem3A_154, %dma_wait3A_161, %dma_wait3A_162] : memref<8x256x768xf32, #tpu.memory_space<vmem_shared>> -> memref<1x256x768xf32, #tpu.memory_space<vmem_shared>>
      %dma_wait3A_164 = tpu.memref_squeeze %dma_wait3A_163 : memref<1x256x768xf32, #tpu.memory_space<vmem_shared>> -> memref<256x768xf32, #tpu.memory_space<vmem_shared>>
      tpu.wait_dma2 semaphore(%dma_wait3A_158 : memref<!tpu.dma_semaphore, #tpu.memory_space<semaphore_mem>>) src(%dma_wait3A_164 : memref<256x768xf32, #tpu.memory_space<vmem_shared>>) dst(%dma_wait3A_160 : memref<256x768xf32, #tpu.memory_space<hbm>>)
    } else {
    }
    %eq3A_3 = arith.constant 1 : i32
    %eq3A_4 = arith.cmpi eq, %arg0, %eq3A_3 : i32
    %convert_element_type3A_5 = arith.extui %eq3A_4 : i1 to i32
    %cond3A_6 = arith.constant 0 : i32
    %cond3A_7 = arith.cmpi ne, %convert_element_type3A_5, %cond3A_6 : i32
    scf.if %cond3A_7 {
      %rem3A = arith.constant 0 : i32
      %rem3A_8 = arith.constant 8 : i32
      %rem3A_9 = arith.remsi %rem3A, %rem3A_8 : i32
      %add3A = arith.constant 0 : i32
      %add3A_10 = arith.addi %mul3A_0, %add3A : i32
      %dma_start3A = tpu.memref_slice %arg5[%rem3A_9] : memref<8x!tpu.dma_semaphore, #tpu.memory_space<semaphore_mem>> -> memref<1x!tpu.dma_semaphore, #tpu.memory_space<semaphore_mem>>
      %dma_start3A_11 = tpu.memref_squeeze %dma_start3A : memref<1x!tpu.dma_semaphore, #tpu.memory_space<semaphore_mem>> -> memref<!tpu.dma_semaphore, #tpu.memory_space<semaphore_mem>>
      %dma_start3A_12 = arith.constant 0 : i32
      %dma_start3A_13 = arith.constant 0 : i32
      %dma_start3A_14 = tpu.memref_slice %arg4[%rem3A_9, %dma_start3A_12, %dma_start3A_13] : memref<8x256x768xf32, #tpu.memory_space<vmem_shared>> -> memref<1x256x768xf32, #tpu.memory_space<vmem_shared>>
      %dma_start3A_15 = tpu.memref_squeeze %dma_start3A_14 : memref<1x256x768xf32, #tpu.memory_space<vmem_shared>> -> memref<256x768xf32, #tpu.memory_space<vmem_shared>>
      %dma_start3A_16 = arith.constant 0 : i32
      %dma_start3A_17 = tpu.memref_slice %arg2[%add3A_10, %dma_start3A_16] : memref<16384x768xf32, #tpu.memory_space<hbm>> -> memref<256x768xf32, #tpu.memory_space<hbm>>
      tpu.enqueue_dma source(%dma_start3A_17 : memref<256x768xf32, #tpu.memory_space<hbm>>) target(%dma_start3A_15 : memref<256x768xf32, #tpu.memory_space<vmem_shared>>) target_semaphore(%dma_start3A_11 : memref<!tpu.dma_semaphore, #tpu.memory_space<semaphore_mem>>)
      %rem3A_18 = arith.constant 1 : i32
      %rem3A_19 = arith.constant 8 : i32
      %rem3A_20 = arith.remsi %rem3A_18, %rem3A_19 : i32
      %add3A_21 = arith.constant 256 : i32
      %add3A_22 = arith.addi %mul3A_0, %add3A_21 : i32
      %dma_start3A_23 = tpu.memref_slice %arg5[%rem3A_20] : memref<8x!tpu.dma_semaphore, #tpu.memory_space<semaphore_mem>> -> memref<1x!tpu.dma_semaphore, #tpu.memory_space<semaphore_mem>>
      %dma_start3A_24 = tpu.memref_squeeze %dma_start3A_23 : memref<1x!tpu.dma_semaphore, #tpu.memory_space<semaphore_mem>> -> memref<!tpu.dma_semaphore, #tpu.memory_space<semaphore_mem>>
      %dma_start3A_25 = arith.constant 0 : i32
      %dma_start3A_26 = arith.constant 0 : i32
      %dma_start3A_27 = tpu.memref_slice %arg4[%rem3A_20, %dma_start3A_25, %dma_start3A_26] : memref<8x256x768xf32, #tpu.memory_space<vmem_shared>> -> memref<1x256x768xf32, #tpu.memory_space<vmem_shared>>
      %dma_start3A_28 = tpu.memref_squeeze %dma_start3A_27 : memref<1x256x768xf32, #tpu.memory_space<vmem_shared>> -> memref<256x768xf32, #tpu.memory_space<vmem_shared>>
      %dma_start3A_29 = arith.constant 0 : i32
      %dma_start3A_30 = tpu.memref_slice %arg2[%add3A_22, %dma_start3A_29] : memref<16384x768xf32, #tpu.memory_space<hbm>> -> memref<256x768xf32, #tpu.memory_space<hbm>>
      tpu.enqueue_dma source(%dma_start3A_30 : memref<256x768xf32, #tpu.memory_space<hbm>>) target(%dma_start3A_28 : memref<256x768xf32, #tpu.memory_space<vmem_shared>>) target_semaphore(%dma_start3A_24 : memref<!tpu.dma_semaphore, #tpu.memory_space<semaphore_mem>>)
      %rem3A_31 = arith.constant 2 : i32
      %rem3A_32 = arith.constant 8 : i32
      %rem3A_33 = arith.remsi %rem3A_31, %rem3A_32 : i32
      %add3A_34 = arith.constant 512 : i32
      %add3A_35 = arith.addi %mul3A_0, %add3A_34 : i32
      %dma_start3A_36 = tpu.memref_slice %arg5[%rem3A_33] : memref<8x!tpu.dma_semaphore, #tpu.memory_space<semaphore_mem>> -> memref<1x!tpu.dma_semaphore, #tpu.memory_space<semaphore_mem>>
      %dma_start3A_37 = tpu.memref_squeeze %dma_start3A_36 : memref<1x!tpu.dma_semaphore, #tpu.memory_space<semaphore_mem>> -> memref<!tpu.dma_semaphore, #tpu.memory_space<semaphore_mem>>
      %dma_start3A_38 = arith.constant 0 : i32
      %dma_start3A_39 = arith.constant 0 : i32
      %dma_start3A_40 = tpu.memref_slice %arg4[%rem3A_33, %dma_start3A_38, %dma_start3A_39] : memref<8x256x768xf32, #tpu.memory_space<vmem_shared>> -> memref<1x256x768xf32, #tpu.memory_space<vmem_shared>>
      %dma_start3A_41 = tpu.memref_squeeze %dma_start3A_40 : memref<1x256x768xf32, #tpu.memory_space<vmem_shared>> -> memref<256x768xf32, #tpu.memory_space<vmem_shared>>
      %dma_start3A_42 = arith.constant 0 : i32
      %dma_start3A_43 = tpu.memref_slice %arg2[%add3A_35, %dma_start3A_42] : memref<16384x768xf32, #tpu.memory_space<hbm>> -> memref<256x768xf32, #tpu.memory_space<hbm>>
      tpu.enqueue_dma source(%dma_start3A_43 : memref<256x768xf32, #tpu.memory_space<hbm>>) target(%dma_start3A_41 : memref<256x768xf32, #tpu.memory_space<vmem_shared>>) target_semaphore(%dma_start3A_37 : memref<!tpu.dma_semaphore, #tpu.memory_space<semaphore_mem>>)
      %rem3A_44 = arith.constant 3 : i32
      %rem3A_45 = arith.constant 8 : i32
      %rem3A_46 = arith.remsi %rem3A_44, %rem3A_45 : i32
      %add3A_47 = arith.constant 768 : i32
      %add3A_48 = arith.addi %mul3A_0, %add3A_47 : i32
      %dma_start3A_49 = tpu.memref_slice %arg5[%rem3A_46] : memref<8x!tpu.dma_semaphore, #tpu.memory_space<semaphore_mem>> -> memref<1x!tpu.dma_semaphore, #tpu.memory_space<semaphore_mem>>
      %dma_start3A_50 = tpu.memref_squeeze %dma_start3A_49 : memref<1x!tpu.dma_semaphore, #tpu.memory_space<semaphore_mem>> -> memref<!tpu.dma_semaphore, #tpu.memory_space<semaphore_mem>>
      %dma_start3A_51 = arith.constant 0 : i32
      %dma_start3A_52 = arith.constant 0 : i32
      %dma_start3A_53 = tpu.memref_slice %arg4[%rem3A_46, %dma_start3A_51, %dma_start3A_52] : memref<8x256x768xf32, #tpu.memory_space<vmem_shared>> -> memref<1x256x768xf32, #tpu.memory_space<vmem_shared>>
      %dma_start3A_54 = tpu.memref_squeeze %dma_start3A_53 : memref<1x256x768xf32, #tpu.memory_space<vmem_shared>> -> memref<256x768xf32, #tpu.memory_space<vmem_shared>>
      %dma_start3A_55 = arith.constant 0 : i32
      %dma_start3A_56 = tpu.memref_slice %arg2[%add3A_48, %dma_start3A_55] : memref<16384x768xf32, #tpu.memory_space<hbm>> -> memref<256x768xf32, #tpu.memory_space<hbm>>
      tpu.enqueue_dma source(%dma_start3A_56 : memref<256x768xf32, #tpu.memory_space<hbm>>) target(%dma_start3A_54 : memref<256x768xf32, #tpu.memory_space<vmem_shared>>) target_semaphore(%dma_start3A_50 : memref<!tpu.dma_semaphore, #tpu.memory_space<semaphore_mem>>)
      %scan3A = arith.constant 0 : i32
      %scan3A_57 = arith.constant 0 : i32
      %scan3A_58 = arith.constant 32 : i32
      %scan3A_59 = arith.addi %scan3A_57, %scan3A_58 : i32
      %scan3A_60 = arith.constant 1 : i32
      scf.for %scan3A_165 = %scan3A_57 to %scan3A_59 step %scan3A_60  : i32 {
        %rem3A_166 = arith.constant 8 : i32
        %rem3A_167 = arith.remsi %scan3A_165, %rem3A_166 : i32
        %mul3A_168 = arith.constant 256 : i32
        %mul3A_169 = arith.muli %scan3A_165, %mul3A_168 : i32
        %add3A_170 = arith.addi %mul3A_0, %mul3A_169 : i32
        %dma_wait3A_171 = tpu.memref_slice %arg5[%rem3A_167] : memref<8x!tpu.dma_semaphore, #tpu.memory_space<semaphore_mem>> -> memref<1x!tpu.dma_semaphore, #tpu.memory_space<semaphore_mem>>
        %dma_wait3A_172 = tpu.memref_squeeze %dma_wait3A_171 : memref<1x!tpu.dma_semaphore, #tpu.memory_space<semaphore_mem>> -> memref<!tpu.dma_semaphore, #tpu.memory_space<semaphore_mem>>
        %dma_wait3A_173 = arith.constant 0 : i32
        %dma_wait3A_174 = arith.constant 0 : i32
        %dma_wait3A_175 = tpu.memref_slice %arg4[%rem3A_167, %dma_wait3A_173, %dma_wait3A_174] : memref<8x256x768xf32, #tpu.memory_space<vmem_shared>> -> memref<1x256x768xf32, #tpu.memory_space<vmem_shared>>
        %dma_wait3A_176 = tpu.memref_squeeze %dma_wait3A_175 : memref<1x256x768xf32, #tpu.memory_space<vmem_shared>> -> memref<256x768xf32, #tpu.memory_space<vmem_shared>>
        %dma_wait3A_177 = arith.constant 0 : i32
        %dma_wait3A_178 = tpu.memref_slice %arg2[%add3A_170, %dma_wait3A_177] : memref<16384x768xf32, #tpu.memory_space<hbm>> -> memref<256x768xf32, #tpu.memory_space<hbm>>
        tpu.wait_dma2 semaphore(%dma_wait3A_172 : memref<!tpu.dma_semaphore, #tpu.memory_space<semaphore_mem>>) src(%dma_wait3A_178 : memref<256x768xf32, #tpu.memory_space<hbm>>) dst(%dma_wait3A_176 : memref<256x768xf32, #tpu.memory_space<vmem_shared>>)
        %rem3A_179 = arith.constant 8 : i32
        %rem3A_180 = arith.remsi %scan3A_165, %rem3A_179 : i32
        %mul3A_181 = arith.constant 256 : i32
        %mul3A_182 = arith.muli %scan3A_165, %mul3A_181 : i32
        %add3A_183 = arith.addi %mul3A_0, %mul3A_182 : i32
        %dma_start3A_184 = tpu.memref_slice %arg6[%rem3A_180] : memref<8x!tpu.dma_semaphore, #tpu.memory_space<semaphore_mem>> -> memref<1x!tpu.dma_semaphore, #tpu.memory_space<semaphore_mem>>
        %dma_start3A_185 = tpu.memref_squeeze %dma_start3A_184 : memref<1x!tpu.dma_semaphore, #tpu.memory_space<semaphore_mem>> -> memref<!tpu.dma_semaphore, #tpu.memory_space<semaphore_mem>>
        %dma_start3A_186 = arith.constant 0 : i32
        %dma_start3A_187 = tpu.memref_slice %arg3[%add3A_183, %dma_start3A_186] : memref<16384x768xf32, #tpu.memory_space<hbm>> -> memref<256x768xf32, #tpu.memory_space<hbm>>
        %dma_start3A_188 = arith.constant 0 : i32
        %dma_start3A_189 = arith.constant 0 : i32
        %dma_start3A_190 = tpu.memref_slice %arg4[%rem3A_180, %dma_start3A_188, %dma_start3A_189] : memref<8x256x768xf32, #tpu.memory_space<vmem_shared>> -> memref<1x256x768xf32, #tpu.memory_space<vmem_shared>>
        %dma_start3A_191 = tpu.memref_squeeze %dma_start3A_190 : memref<1x256x768xf32, #tpu.memory_space<vmem_shared>> -> memref<256x768xf32, #tpu.memory_space<vmem_shared>>
        tpu.enqueue_dma source(%dma_start3A_191 : memref<256x768xf32, #tpu.memory_space<vmem_shared>>) target(%dma_start3A_187 : memref<256x768xf32, #tpu.memory_space<hbm>>) target_semaphore(%dma_start3A_185 : memref<!tpu.dma_semaphore, #tpu.memory_space<semaphore_mem>>)
        %add3A_192 = arith.constant 4 : i32
        %add3A_193 = arith.addi %scan3A_165, %add3A_192 : i32
        %lt3A = arith.constant 32 : i32
        %lt3A_194 = arith.cmpi slt, %add3A_193, %lt3A : i32
        %convert_element_type3A_195 = arith.extui %lt3A_194 : i1 to i32
        %cond3A_196 = arith.constant 0 : i32
        %cond3A_197 = arith.cmpi ne, %convert_element_type3A_195, %cond3A_196 : i32
        scf.if %cond3A_197 {
          %ge3A = arith.constant 8 : i32
          %ge3A_198 = arith.cmpi sge, %add3A_193, %ge3A : i32
          %convert_element_type3A_199 = arith.extui %ge3A_198 : i1 to i32
          %cond3A_200 = arith.constant 0 : i32
          %cond3A_201 = arith.cmpi ne, %convert_element_type3A_199, %cond3A_200 : i32
          scf.if %cond3A_201 {
            %sub3A = arith.constant 8 : i32
            %sub3A_215 = arith.subi %add3A_193, %sub3A : i32
            %rem3A_216 = arith.constant 8 : i32
            %rem3A_217 = arith.remsi %sub3A_215, %rem3A_216 : i32
            %mul3A_218 = arith.constant 256 : i32
            %mul3A_219 = arith.muli %sub3A_215, %mul3A_218 : i32
            %add3A_220 = arith.addi %mul3A_0, %mul3A_219 : i32
            %dma_wait3A_221 = tpu.memref_slice %arg6[%rem3A_217] : memref<8x!tpu.dma_semaphore, #tpu.memory_space<semaphore_mem>> -> memref<1x!tpu.dma_semaphore, #tpu.memory_space<semaphore_mem>>
            %dma_wait3A_222 = tpu.memref_squeeze %dma_wait3A_221 : memref<1x!tpu.dma_semaphore, #tpu.memory_space<semaphore_mem>> -> memref<!tpu.dma_semaphore, #tpu.memory_space<semaphore_mem>>
            %dma_wait3A_223 = arith.constant 0 : i32
            %dma_wait3A_224 = tpu.memref_slice %arg3[%add3A_220, %dma_wait3A_223] : memref<16384x768xf32, #tpu.memory_space<hbm>> -> memref<256x768xf32, #tpu.memory_space<hbm>>
            %dma_wait3A_225 = arith.constant 0 : i32
            %dma_wait3A_226 = arith.constant 0 : i32
            %dma_wait3A_227 = tpu.memref_slice %arg4[%rem3A_217, %dma_wait3A_225, %dma_wait3A_226] : memref<8x256x768xf32, #tpu.memory_space<vmem_shared>> -> memref<1x256x768xf32, #tpu.memory_space<vmem_shared>>
            %dma_wait3A_228 = tpu.memref_squeeze %dma_wait3A_227 : memref<1x256x768xf32, #tpu.memory_space<vmem_shared>> -> memref<256x768xf32, #tpu.memory_space<vmem_shared>>
            tpu.wait_dma2 semaphore(%dma_wait3A_222 : memref<!tpu.dma_semaphore, #tpu.memory_space<semaphore_mem>>) src(%dma_wait3A_228 : memref<256x768xf32, #tpu.memory_space<vmem_shared>>) dst(%dma_wait3A_224 : memref<256x768xf32, #tpu.memory_space<hbm>>)
          } else {
          }
          %rem3A_202 = arith.constant 8 : i32
          %rem3A_203 = arith.remsi %add3A_193, %rem3A_202 : i32
          %mul3A_204 = arith.constant 256 : i32
          %mul3A_205 = arith.muli %add3A_193, %mul3A_204 : i32
          %add3A_206 = arith.addi %mul3A_0, %mul3A_205 : i32
          %dma_start3A_207 = tpu.memref_slice %arg5[%rem3A_203] : memref<8x!tpu.dma_semaphore, #tpu.memory_space<semaphore_mem>> -> memref<1x!tpu.dma_semaphore, #tpu.memory_space<semaphore_mem>>
          %dma_start3A_208 = tpu.memref_squeeze %dma_start3A_207 : memref<1x!tpu.dma_semaphore, #tpu.memory_space<semaphore_mem>> -> memref<!tpu.dma_semaphore, #tpu.memory_space<semaphore_mem>>
          %dma_start3A_209 = arith.constant 0 : i32
          %dma_start3A_210 = arith.constant 0 : i32
          %dma_start3A_211 = tpu.memref_slice %arg4[%rem3A_203, %dma_start3A_209, %dma_start3A_210] : memref<8x256x768xf32, #tpu.memory_space<vmem_shared>> -> memref<1x256x768xf32, #tpu.memory_space<vmem_shared>>
          %dma_start3A_212 = tpu.memref_squeeze %dma_start3A_211 : memref<1x256x768xf32, #tpu.memory_space<vmem_shared>> -> memref<256x768xf32, #tpu.memory_space<vmem_shared>>
          %dma_start3A_213 = arith.constant 0 : i32
          %dma_start3A_214 = tpu.memref_slice %arg2[%add3A_206, %dma_start3A_213] : memref<16384x768xf32, #tpu.memory_space<hbm>> -> memref<256x768xf32, #tpu.memory_space<hbm>>
          tpu.enqueue_dma source(%dma_start3A_214 : memref<256x768xf32, #tpu.memory_space<hbm>>) target(%dma_start3A_212 : memref<256x768xf32, #tpu.memory_space<vmem_shared>>) target_semaphore(%dma_start3A_208 : memref<!tpu.dma_semaphore, #tpu.memory_space<semaphore_mem>>)
        } else {
        }
      }
      %scan3A_61 = arith.constant 32 : i32
      %rem3A_62 = arith.constant 24 : i32
      %rem3A_63 = arith.constant 8 : i32
      %rem3A_64 = arith.remsi %rem3A_62, %rem3A_63 : i32
      %add3A_65 = arith.constant 6144 : i32
      %add3A_66 = arith.addi %mul3A_0, %add3A_65 : i32
      %dma_wait3A = tpu.memref_slice %arg6[%rem3A_64] : memref<8x!tpu.dma_semaphore, #tpu.memory_space<semaphore_mem>> -> memref<1x!tpu.dma_semaphore, #tpu.memory_space<semaphore_mem>>
      %dma_wait3A_67 = tpu.memref_squeeze %dma_wait3A : memref<1x!tpu.dma_semaphore, #tpu.memory_space<semaphore_mem>> -> memref<!tpu.dma_semaphore, #tpu.memory_space<semaphore_mem>>
      %dma_wait3A_68 = arith.constant 0 : i32
      %dma_wait3A_69 = tpu.memref_slice %arg3[%add3A_66, %dma_wait3A_68] : memref<16384x768xf32, #tpu.memory_space<hbm>> -> memref<256x768xf32, #tpu.memory_space<hbm>>
      %dma_wait3A_70 = arith.constant 0 : i32
      %dma_wait3A_71 = arith.constant 0 : i32
      %dma_wait3A_72 = tpu.memref_slice %arg4[%rem3A_64, %dma_wait3A_70, %dma_wait3A_71] : memref<8x256x768xf32, #tpu.memory_space<vmem_shared>> -> memref<1x256x768xf32, #tpu.memory_space<vmem_shared>>
      %dma_wait3A_73 = tpu.memref_squeeze %dma_wait3A_72 : memref<1x256x768xf32, #tpu.memory_space<vmem_shared>> -> memref<256x768xf32, #tpu.memory_space<vmem_shared>>
      tpu.wait_dma2 semaphore(%dma_wait3A_67 : memref<!tpu.dma_semaphore, #tpu.memory_space<semaphore_mem>>) src(%dma_wait3A_73 : memref<256x768xf32, #tpu.memory_space<vmem_shared>>) dst(%dma_wait3A_69 : memref<256x768xf32, #tpu.memory_space<hbm>>)
      %rem3A_74 = arith.constant 25 : i32
      %rem3A_75 = arith.constant 8 : i32
      %rem3A_76 = arith.remsi %rem3A_74, %rem3A_75 : i32
      %add3A_77 = arith.constant 6400 : i32
      %add3A_78 = arith.addi %mul3A_0, %add3A_77 : i32
      %dma_wait3A_79 = tpu.memref_slice %arg6[%rem3A_76] : memref<8x!tpu.dma_semaphore, #tpu.memory_space<semaphore_mem>> -> memref<1x!tpu.dma_semaphore, #tpu.memory_space<semaphore_mem>>
      %dma_wait3A_80 = tpu.memref_squeeze %dma_wait3A_79 : memref<1x!tpu.dma_semaphore, #tpu.memory_space<semaphore_mem>> -> memref<!tpu.dma_semaphore, #tpu.memory_space<semaphore_mem>>
      %dma_wait3A_81 = arith.constant 0 : i32
      %dma_wait3A_82 = tpu.memref_slice %arg3[%add3A_78, %dma_wait3A_81] : memref<16384x768xf32, #tpu.memory_space<hbm>> -> memref<256x768xf32, #tpu.memory_space<hbm>>
      %dma_wait3A_83 = arith.constant 0 : i32
      %dma_wait3A_84 = arith.constant 0 : i32
      %dma_wait3A_85 = tpu.memref_slice %arg4[%rem3A_76, %dma_wait3A_83, %dma_wait3A_84] : memref<8x256x768xf32, #tpu.memory_space<vmem_shared>> -> memref<1x256x768xf32, #tpu.memory_space<vmem_shared>>
      %dma_wait3A_86 = tpu.memref_squeeze %dma_wait3A_85 : memref<1x256x768xf32, #tpu.memory_space<vmem_shared>> -> memref<256x768xf32, #tpu.memory_space<vmem_shared>>
      tpu.wait_dma2 semaphore(%dma_wait3A_80 : memref<!tpu.dma_semaphore, #tpu.memory_space<semaphore_mem>>) src(%dma_wait3A_86 : memref<256x768xf32, #tpu.memory_space<vmem_shared>>) dst(%dma_wait3A_82 : memref<256x768xf32, #tpu.memory_space<hbm>>)
      %rem3A_87 = arith.constant 26 : i32
      %rem3A_88 = arith.constant 8 : i32
      %rem3A_89 = arith.remsi %rem3A_87, %rem3A_88 : i32
      %add3A_90 = arith.constant 6656 : i32
      %add3A_91 = arith.addi %mul3A_0, %add3A_90 : i32
      %dma_wait3A_92 = tpu.memref_slice %arg6[%rem3A_89] : memref<8x!tpu.dma_semaphore, #tpu.memory_space<semaphore_mem>> -> memref<1x!tpu.dma_semaphore, #tpu.memory_space<semaphore_mem>>
      %dma_wait3A_93 = tpu.memref_squeeze %dma_wait3A_92 : memref<1x!tpu.dma_semaphore, #tpu.memory_space<semaphore_mem>> -> memref<!tpu.dma_semaphore, #tpu.memory_space<semaphore_mem>>
      %dma_wait3A_94 = arith.constant 0 : i32
      %dma_wait3A_95 = tpu.memref_slice %arg3[%add3A_91, %dma_wait3A_94] : memref<16384x768xf32, #tpu.memory_space<hbm>> -> memref<256x768xf32, #tpu.memory_space<hbm>>
      %dma_wait3A_96 = arith.constant 0 : i32
      %dma_wait3A_97 = arith.constant 0 : i32
      %dma_wait3A_98 = tpu.memref_slice %arg4[%rem3A_89, %dma_wait3A_96, %dma_wait3A_97] : memref<8x256x768xf32, #tpu.memory_space<vmem_shared>> -> memref<1x256x768xf32, #tpu.memory_space<vmem_shared>>
      %dma_wait3A_99 = tpu.memref_squeeze %dma_wait3A_98 : memref<1x256x768xf32, #tpu.memory_space<vmem_shared>> -> memref<256x768xf32, #tpu.memory_space<vmem_shared>>
      tpu.wait_dma2 semaphore(%dma_wait3A_93 : memref<!tpu.dma_semaphore, #tpu.memory_space<semaphore_mem>>) src(%dma_wait3A_99 : memref<256x768xf32, #tpu.memory_space<vmem_shared>>) dst(%dma_wait3A_95 : memref<256x768xf32, #tpu.memory_space<hbm>>)
      %rem3A_100 = arith.constant 27 : i32
      %rem3A_101 = arith.constant 8 : i32
      %rem3A_102 = arith.remsi %rem3A_100, %rem3A_101 : i32
      %add3A_103 = arith.constant 6912 : i32
      %add3A_104 = arith.addi %mul3A_0, %add3A_103 : i32
      %dma_wait3A_105 = tpu.memref_slice %arg6[%rem3A_102] : memref<8x!tpu.dma_semaphore, #tpu.memory_space<semaphore_mem>> -> memref<1x!tpu.dma_semaphore, #tpu.memory_space<semaphore_mem>>
      %dma_wait3A_106 = tpu.memref_squeeze %dma_wait3A_105 : memref<1x!tpu.dma_semaphore, #tpu.memory_space<semaphore_mem>> -> memref<!tpu.dma_semaphore, #tpu.memory_space<semaphore_mem>>
      %dma_wait3A_107 = arith.constant 0 : i32
      %dma_wait3A_108 = tpu.memref_slice %arg3[%add3A_104, %dma_wait3A_107] : memref<16384x768xf32, #tpu.memory_space<hbm>> -> memref<256x768xf32, #tpu.memory_space<hbm>>
      %dma_wait3A_109 = arith.constant 0 : i32
      %dma_wait3A_110 = arith.constant 0 : i32
      %dma_wait3A_111 = tpu.memref_slice %arg4[%rem3A_102, %dma_wait3A_109, %dma_wait3A_110] : memref<8x256x768xf32, #tpu.memory_space<vmem_shared>> -> memref<1x256x768xf32, #tpu.memory_space<vmem_shared>>
      %dma_wait3A_112 = tpu.memref_squeeze %dma_wait3A_111 : memref<1x256x768xf32, #tpu.memory_space<vmem_shared>> -> memref<256x768xf32, #tpu.memory_space<vmem_shared>>
      tpu.wait_dma2 semaphore(%dma_wait3A_106 : memref<!tpu.dma_semaphore, #tpu.memory_space<semaphore_mem>>) src(%dma_wait3A_112 : memref<256x768xf32, #tpu.memory_space<vmem_shared>>) dst(%dma_wait3A_108 : memref<256x768xf32, #tpu.memory_space<hbm>>)
      %rem3A_113 = arith.constant 28 : i32
      %rem3A_114 = arith.constant 8 : i32
      %rem3A_115 = arith.remsi %rem3A_113, %rem3A_114 : i32
      %add3A_116 = arith.constant 7168 : i32
      %add3A_117 = arith.addi %mul3A_0, %add3A_116 : i32
      %dma_wait3A_118 = tpu.memref_slice %arg6[%rem3A_115] : memref<8x!tpu.dma_semaphore, #tpu.memory_space<semaphore_mem>> -> memref<1x!tpu.dma_semaphore, #tpu.memory_space<semaphore_mem>>
      %dma_wait3A_119 = tpu.memref_squeeze %dma_wait3A_118 : memref<1x!tpu.dma_semaphore, #tpu.memory_space<semaphore_mem>> -> memref<!tpu.dma_semaphore, #tpu.memory_space<semaphore_mem>>
      %dma_wait3A_120 = arith.constant 0 : i32
      %dma_wait3A_121 = tpu.memref_slice %arg3[%add3A_117, %dma_wait3A_120] : memref<16384x768xf32, #tpu.memory_space<hbm>> -> memref<256x768xf32, #tpu.memory_space<hbm>>
      %dma_wait3A_122 = arith.constant 0 : i32
      %dma_wait3A_123 = arith.constant 0 : i32
      %dma_wait3A_124 = tpu.memref_slice %arg4[%rem3A_115, %dma_wait3A_122, %dma_wait3A_123] : memref<8x256x768xf32, #tpu.memory_space<vmem_shared>> -> memref<1x256x768xf32, #tpu.memory_space<vmem_shared>>
      %dma_wait3A_125 = tpu.memref_squeeze %dma_wait3A_124 : memref<1x256x768xf32, #tpu.memory_space<vmem_shared>> -> memref<256x768xf32, #tpu.memory_space<vmem_shared>>
      tpu.wait_dma2 semaphore(%dma_wait3A_119 : memref<!tpu.dma_semaphore, #tpu.memory_space<semaphore_mem>>) src(%dma_wait3A_125 : memref<256x768xf32, #tpu.memory_space<vmem_shared>>) dst(%dma_wait3A_121 : memref<256x768xf32, #tpu.memory_space<hbm>>)
      %rem3A_126 = arith.constant 29 : i32
      %rem3A_127 = arith.constant 8 : i32
      %rem3A_128 = arith.remsi %rem3A_126, %rem3A_127 : i32
      %add3A_129 = arith.constant 7424 : i32
      %add3A_130 = arith.addi %mul3A_0, %add3A_129 : i32
      %dma_wait3A_131 = tpu.memref_slice %arg6[%rem3A_128] : memref<8x!tpu.dma_semaphore, #tpu.memory_space<semaphore_mem>> -> memref<1x!tpu.dma_semaphore, #tpu.memory_space<semaphore_mem>>
      %dma_wait3A_132 = tpu.memref_squeeze %dma_wait3A_131 : memref<1x!tpu.dma_semaphore, #tpu.memory_space<semaphore_mem>> -> memref<!tpu.dma_semaphore, #tpu.memory_space<semaphore_mem>>
      %dma_wait3A_133 = arith.constant 0 : i32
      %dma_wait3A_134 = tpu.memref_slice %arg3[%add3A_130, %dma_wait3A_133] : memref<16384x768xf32, #tpu.memory_space<hbm>> -> memref<256x768xf32, #tpu.memory_space<hbm>>
      %dma_wait3A_135 = arith.constant 0 : i32
      %dma_wait3A_136 = arith.constant 0 : i32
      %dma_wait3A_137 = tpu.memref_slice %arg4[%rem3A_128, %dma_wait3A_135, %dma_wait3A_136] : memref<8x256x768xf32, #tpu.memory_space<vmem_shared>> -> memref<1x256x768xf32, #tpu.memory_space<vmem_shared>>
      %dma_wait3A_138 = tpu.memref_squeeze %dma_wait3A_137 : memref<1x256x768xf32, #tpu.memory_space<vmem_shared>> -> memref<256x768xf32, #tpu.memory_space<vmem_shared>>
      tpu.wait_dma2 semaphore(%dma_wait3A_132 : memref<!tpu.dma_semaphore, #tpu.memory_space<semaphore_mem>>) src(%dma_wait3A_138 : memref<256x768xf32, #tpu.memory_space<vmem_shared>>) dst(%dma_wait3A_134 : memref<256x768xf32, #tpu.memory_space<hbm>>)
      %rem3A_139 = arith.constant 30 : i32
      %rem3A_140 = arith.constant 8 : i32
      %rem3A_141 = arith.remsi %rem3A_139, %rem3A_140 : i32
      %add3A_142 = arith.constant 7680 : i32
      %add3A_143 = arith.addi %mul3A_0, %add3A_142 : i32
      %dma_wait3A_144 = tpu.memref_slice %arg6[%rem3A_141] : memref<8x!tpu.dma_semaphore, #tpu.memory_space<semaphore_mem>> -> memref<1x!tpu.dma_semaphore, #tpu.memory_space<semaphore_mem>>
      %dma_wait3A_145 = tpu.memref_squeeze %dma_wait3A_144 : memref<1x!tpu.dma_semaphore, #tpu.memory_space<semaphore_mem>> -> memref<!tpu.dma_semaphore, #tpu.memory_space<semaphore_mem>>
      %dma_wait3A_146 = arith.constant 0 : i32
      %dma_wait3A_147 = tpu.memref_slice %arg3[%add3A_143, %dma_wait3A_146] : memref<16384x768xf32, #tpu.memory_space<hbm>> -> memref<256x768xf32, #tpu.memory_space<hbm>>
      %dma_wait3A_148 = arith.constant 0 : i32
      %dma_wait3A_149 = arith.constant 0 : i32
      %dma_wait3A_150 = tpu.memref_slice %arg4[%rem3A_141, %dma_wait3A_148, %dma_wait3A_149] : memref<8x256x768xf32, #tpu.memory_space<vmem_shared>> -> memref<1x256x768xf32, #tpu.memory_space<vmem_shared>>
      %dma_wait3A_151 = tpu.memref_squeeze %dma_wait3A_150 : memref<1x256x768xf32, #tpu.memory_space<vmem_shared>> -> memref<256x768xf32, #tpu.memory_space<vmem_shared>>
      tpu.wait_dma2 semaphore(%dma_wait3A_145 : memref<!tpu.dma_semaphore, #tpu.memory_space<semaphore_mem>>) src(%dma_wait3A_151 : memref<256x768xf32, #tpu.memory_space<vmem_shared>>) dst(%dma_wait3A_147 : memref<256x768xf32, #tpu.memory_space<hbm>>)
      %rem3A_152 = arith.constant 31 : i32
      %rem3A_153 = arith.constant 8 : i32
      %rem3A_154 = arith.remsi %rem3A_152, %rem3A_153 : i32
      %add3A_155 = arith.constant 7936 : i32
      %add3A_156 = arith.addi %mul3A_0, %add3A_155 : i32
      %dma_wait3A_157 = tpu.memref_slice %arg6[%rem3A_154] : memref<8x!tpu.dma_semaphore, #tpu.memory_space<semaphore_mem>> -> memref<1x!tpu.dma_semaphore, #tpu.memory_space<semaphore_mem>>
      %dma_wait3A_158 = tpu.memref_squeeze %dma_wait3A_157 : memref<1x!tpu.dma_semaphore, #tpu.memory_space<semaphore_mem>> -> memref<!tpu.dma_semaphore, #tpu.memory_space<semaphore_mem>>
      %dma_wait3A_159 = arith.constant 0 : i32
      %dma_wait3A_160 = tpu.memref_slice %arg3[%add3A_156, %dma_wait3A_159] : memref<16384x768xf32, #tpu.memory_space<hbm>> -> memref<256x768xf32, #tpu.memory_space<hbm>>
      %dma_wait3A_161 = arith.constant 0 : i32
      %dma_wait3A_162 = arith.constant 0 : i32
      %dma_wait3A_163 = tpu.memref_slice %arg4[%rem3A_154, %dma_wait3A_161, %dma_wait3A_162] : memref<8x256x768xf32, #tpu.memory_space<vmem_shared>> -> memref<1x256x768xf32, #tpu.memory_space<vmem_shared>>
      %dma_wait3A_164 = tpu.memref_squeeze %dma_wait3A_163 : memref<1x256x768xf32, #tpu.memory_space<vmem_shared>> -> memref<256x768xf32, #tpu.memory_space<vmem_shared>>
      tpu.wait_dma2 semaphore(%dma_wait3A_158 : memref<!tpu.dma_semaphore, #tpu.memory_space<semaphore_mem>>) src(%dma_wait3A_164 : memref<256x768xf32, #tpu.memory_space<vmem_shared>>) dst(%dma_wait3A_160 : memref<256x768xf32, #tpu.memory_space<hbm>>)
    } else {
    }
    return
  }
}

module attributes {stable_mosaic.version = 14 : i64} {
  func.func @_tc_copy_body(%arg0: i32, %arg1: memref<1024x768xf32, #tpu.memory_space<vmem>>, %arg2: memref<1024x768xf32, #tpu.memory_space<vmem>>, %arg3: memref<1024x768xf32, #tpu.memory_space<vmem>>) attributes {dimension_semantics = [#tpu.dimension_semantics<arbitrary>], iteration_bounds = array<i64: 16>, scalar_prefetch = 0 : i64, scratch_operands = 0 : i64, tpu.core_type = #tpu.core_type<tc>, window_params = [{transform_indices = @transform_0, window_bounds = array<i64: 1024, 768>}, {transform_indices = @transform_1, window_bounds = array<i64: 1024, 768>}, {transform_indices = @transform_2, window_bounds = array<i64: 1024, 768>}]} {
    %lt3A = arith.constant 8 : i32
    %lt3A_0 = arith.cmpi slt, %arg0, %lt3A : i32
    %convert_element_type3A = arith.extui %lt3A_0 : i1 to i32
    %cond3A = arith.constant 0 : i32
    %cond3A_1 = arith.cmpi ne, %convert_element_type3A, %cond3A : i32
    scf.if %cond3A_1 {
      %get3A = arith.constant 0 : index
      %get3A_6 = arith.constant 0 : index
      %get3A_7 = vector.load %arg1[%get3A, %get3A_6] : memref<1024x768xf32, #tpu.memory_space<vmem>>, vector<1024x768xf32>
      %swap3A = arith.constant 0 : index
      %swap3A_8 = arith.constant 0 : index
      %swap3A_9 = vector.load %arg3[%swap3A, %swap3A_8] : memref<1024x768xf32, #tpu.memory_space<vmem>>, vector<1024x768xf32>
      tpu.vector_store %arg3[%swap3A, %swap3A_8], %get3A_7 {strides = array<i32>} : memref<1024x768xf32, #tpu.memory_space<vmem>>, vector<1024x768xf32>,
    } else {
    }
    %ge3A = arith.constant 8 : i32
    %ge3A_2 = arith.cmpi sge, %arg0, %ge3A : i32
    %convert_element_type3A_3 = arith.extui %ge3A_2 : i1 to i32
    %cond3A_4 = arith.constant 0 : i32
    %cond3A_5 = arith.cmpi ne, %convert_element_type3A_3, %cond3A_4 : i32
    scf.if %cond3A_5 {
      %get3A = arith.constant 0 : index
      %get3A_6 = arith.constant 0 : index
      %get3A_7 = vector.load %arg2[%get3A, %get3A_6] : memref<1024x768xf32, #tpu.memory_space<vmem>>, vector<1024x768xf32>
      %swap3A = arith.constant 0 : index
      %swap3A_8 = arith.constant 0 : index
      %swap3A_9 = vector.load %arg3[%swap3A, %swap3A_8] : memref<1024x768xf32, #tpu.memory_space<vmem>>, vector<1024x768xf32>
      tpu.vector_store %arg3[%swap3A, %swap3A_8], %get3A_7 {strides = array<i32>} : memref<1024x768xf32, #tpu.memory_space<vmem>>, vector<1024x768xf32>,
    } else {
    }
    return
  }
  func.func @transform_0(%arg0: i32) -> (i32, i32) {
    %min3A = arith.constant 7 : i32
    %min3A_0 = arith.minsi %arg0, %min3A : i32
    %c0_i32 = arith.constant 0 : i32
    %c0_i32_1 = arith.constant 0 : i32
    return %min3A_0, %c0_i32 : i32, i32
  }
  func.func @transform_1(%arg0: i32) -> (i32, i32) {
    %max3A = arith.constant 8 : i32
    %max3A_0 = arith.maxsi %arg0, %max3A : i32
    %c0_i32 = arith.constant 0 : i32
    %c0_i32_1 = arith.constant 0 : i32
    return %max3A_0, %c0_i32 : i32, i32
  }
  func.func @transform_2(%arg0: i32) -> (i32, i32) {
    %c0_i32 = arith.constant 0 : i32
    %c0_i32_0 = arith.constant 0 : i32
    return %arg0, %c0_i32 : i32, i32
  }
}

</mosaic_0001>

<sc_bundles>
// kernel: kernel.4.cloned.1.call-start
scs
__scs_entry_jumppad:
0x0: {  	(pc) =	sbr.rel $0x88, $3  }
0x1: {  	(tag) =	ssettag $0x0;
	lr =	simm.s32 $0x1  }
0x2: {  	[smem:$0x3F9D] =	sst lr;
	_ =	strace $0xD0000000  }
0x3: {  	_ = 	snop  }
0x4: {  	_ = 	snop  }
0x5: {  	_ = 	snop  }
0x6: {  	_ = 	snop  }
0x7: {  	_ = 	snop  }
__scs_overlays_trampoline_lowered:
0x8: {  	[smem:$0x3FAC] =	sst s0  }
0x9: {  	[smem:$0x3FAD] =	sst s1  }
0xa: {  	[smem:$0x3FAE] =	sst s2  }
0xb: {  	[smem:$0x3FAF] =	sst s3  }
0xc: {  	[smem:$0x3FB0] =	sst s4  }
0xd: {  	[smem:$0x3FB1] =	sst s5  }
0xe: {  	[smem:$0x3FB2] =	sst s6  }
0xf: {  	[smem:$0x3FB3] =	sst s7  }
0x10: {  	[smem:$0x3FB4] =	sst s8  }
0x11: {  	[smem:$0x3FB5] =	sst s9;
	s0 =	simm.s32 @!p0 $0x0  }
0x12: {  	s1 =	sld [smem:$0x3F9B];
	s0 =	simm.s32 @p0 $0x1  }
0x13: {  	[smem:$0x3FB6] =	sst s0;
	s0 =	simm.s32 @!p1 $0x0  }
0x14: {  	s2 =	sld [smem:$0x3F9A];
	s0 =	simm.s32 @p1 $0x1  }
0x15: {  	[smem:$0x3FB7] =	sst s0;
	s0 =	simm.s32 @!p2 $0x0  }
0x16: {  	s3 =	sld [smem:$0x3FDB];
	s0 =	simm.s32 @p2 $0x1  }
0x17: {  	s4 =	simm.s32 $0x1BF5;
	[smem:$0x3FB9] =	sst s0  }
0x18: {  	s0 =	sld [smem:$0x3F9C];
	_ =	swait.ge [sflag:s4], $0x0  }
0x19: {  	s7 =	sld [smem:$0x3F9D]  }
0x1a: {  	s8 =	sadd.s32 $0xFFFFE003, lr  }
0x1b: {  	s9 =	sadd.s32 $0xFFFFFEF7, lr;
	s5 =	simm.s32 $0xFFFFFFFF;
	p2 =	slt.u32 s8, $0xFFFFF086  }
0x1c: {  	p1 =	slt.u32 s9, $0xF7A;
	s5 =	simm.s32 @!p2 $0x0  }
0x1d: {  	s5 =	simm.s32 @p1 $0x1;
	p0 =	seq.s32 s7, s2  }
0x1e: {  	s7 =	smul.u32 @!p0 $0xF7A, s2;
	p2 =	seq.s32 @!p0 s5, $0x0  }
0x1f: {  	s9 =	smul.u32 $0xF7A, s1;
	s8 =	simm.s32 @!p0 $0x1BF5;
	p2 =	por !p2, p0  }
0x20: {  	[sflag:s8] =	ssyncset.s32 @!p0 $0xFFFFF086;
	s6 =	sadd.s32 @!p0 s3, s7;
	s7 =	simm.s32 @!p0 $0x108  }
0x21: {  	s3 =	sadd.s32 s3, s9;
	s6 =	sadd.s32 @!p0 $0x88, s6;
	s7 =	simm.s32 @p2 $0x1082  }
0x22: {  	[simem:s7], [sflag:s8] =	dma.local @!p0 [hbm:s6], $0xF7A  }
0x23: {  	s9 =	sor.u32 $0xD0000000, s2;
	s6 =	simm.s32 $0x108;
	_ =	swait.ge @!p0 [sflag:s8], $0x0  }
0x24: {  	s3 =	sadd.s32 $0x88, s3;
	s6 =	simm.s32 @!p1 $0x1082;
	[sflag:s4] =	ssyncset.s32 $0xFFFFF086  }
0x25: {  	[simem:s6], [sflag:s4] =	dma.local [hbm:s3], $0xF7A  }
0x26: {  	[smem:$0x3F9D] =	sst s1;
	(tag) =	ssettag s2;
	_ =	strace s9  }
0x27: {  	s1 =	sld [smem:$0x3FAD]  }
0x28: {  	s2 =	sld [smem:$0x3FAE]  }
0x29: {  	s4 =	sld [smem:$0x3FB0]  }
0x2a: {  	p0 =	seq.s32 s5, $0x0;
	s5 =	sld [smem:$0x3FB1]  }
0x2b: {  	s6 =	sld [smem:$0x3FB2]  }
0x2c: {  	s7 =	sld [smem:$0x3FB3]  }
0x2d: {  	s3 =	simm.s32 $0x108;
	s8 =	sld [smem:$0x3FB4]  }
0x2e: {  	s3 =	simm.s32 @!p0 $0x1082;
	s9 =	sld [smem:$0x3FB5]  }
0x2f: {  	lr =	sadd.s32 s0, s3;
	s0 =	sld [smem:$0x3FAC]  }
0x30: {  	s3 =	sld [smem:$0x3FAF]  }
0x31: {  	[smem:$0x3FB8] =	sst s10  }
0x32: {  	s10 =	sld [smem:$0x3FB6];
	_ =	sdelay $0x3  }
0x33: {  	p0 =	seq.s32 s10, $0x1;
	s10 =	sld [smem:$0x3FB8];
	_ =	sdelay $0x3  }
0x34: {  	[smem:$0x3FB8] =	sst s10  }
0x35: {  	s10 =	sld [smem:$0x3FB7];
	_ =	sdelay $0x3  }
0x36: {  	p1 =	seq.s32 s10, $0x1;
	s10 =	sld [smem:$0x3FB8];
	_ =	sdelay $0x3  }
0x37: {  	[smem:$0x3FB8] =	sst s10  }
0x38: {  	s10 =	sld [smem:$0x3FB9]  }
0x39: {  	_ = 	snop;
	(pc) =	sbr.ind lr, $3  }
0x3a: {  	_ = 	snop  }
0x3b: {  	_ = 	snop  }
0x3c: {  	p2 =	seq.s32 s10, $0x1;
	s10 =	sld [smem:$0x3FB8]  }
0x3d: {  	_ =	shalt  }
0x3e: {  	_ =	shalt  }
0x3f: {  	_ =	shalt  }
0x40: {  	_ =	shalt  }
0x41: {  	_ =	shalt  }
0x42: {  	_ =	shalt  }
0x43: {  	_ =	shalt  }
0x44: {  	_ =	shalt  }
0x45: {  	_ =	shalt  }
0x46: {  	_ =	shalt  }
0x47: {  	_ =	shalt  }
0x48: {  	_ =	shalt  }
0x49: {  	_ =	shalt  }
0x4a: {  	_ =	shalt  }
0x4b: {  	_ =	shalt  }
0x4c: {  	_ =	shalt  }
0x4d: {  	_ =	shalt  }
0x4e: {  	_ =	shalt  }
0x4f: {  	_ =	shalt  }
0x50: {  	_ =	shalt  }
0x51: {  	_ =	shalt  }
0x52: {  	_ =	shalt  }
0x53: {  	_ =	shalt  }
0x54: {  	_ =	shalt  }
0x55: {  	_ =	shalt  }
0x56: {  	_ =	shalt  }
0x57: {  	_ =	shalt  }
0x58: {  	_ =	shalt  }
0x59: {  	_ =	shalt  }
0x5a: {  	_ =	shalt  }
0x5b: {  	_ =	shalt  }
0x5c: {  	_ =	shalt  }
0x5d: {  	_ =	shalt  }
0x5e: {  	_ =	shalt  }
0x5f: {  	_ =	shalt  }
0x60: {  	_ =	shalt  }
0x61: {  	_ =	shalt  }
0x62: {  	_ =	shalt  }
0x63: {  	_ =	shalt  }
0x64: {  	_ =	shalt  }
0x65: {  	_ =	shalt  }
0x66: {  	_ =	shalt  }
0x67: {  	_ =	shalt  }
0x68: {  	_ =	shalt  }
0x69: {  	_ =	shalt  }
0x6a: {  	_ =	shalt  }
0x6b: {  	_ =	shalt  }
0x6c: {  	_ =	shalt  }
0x6d: {  	_ =	shalt  }
0x6e: {  	_ =	shalt  }
0x6f: {  	_ =	shalt  }
0x70: {  	_ =	shalt  }
0x71: {  	_ =	shalt  }
0x72: {  	_ =	shalt  }
0x73: {  	_ =	shalt  }
0x74: {  	_ =	shalt  }
0x75: {  	_ =	shalt  }
0x76: {  	_ =	shalt  }
0x77: {  	_ =	shalt  }
0x78: {  	_ =	shalt  }
0x79: {  	_ =	shalt  }
0x7a: {  	_ =	shalt  }
0x7b: {  	_ =	shalt  }
0x7c: {  	_ =	shalt  }
0x7d: {  	_ =	shalt  }
0x7e: {  	_ =	shalt  }
0x7f: {  	_ =	shalt  }
0x80: {  	_ =	shalt  }
0x81: {  	_ =	shalt  }
0x82: {  	_ =	shalt  }
0x83: {  	_ =	shalt  }
0x84: {  	_ =	shalt  }
0x85: {  	_ =	shalt  }
0x86: {  	_ =	shalt  }
0x87: {  	_ =	shalt  }
.Lfunc_end0:
.L_simem_size_0:
called_computation_lowered:
.L_overlay_start_0:
0x88: {  	s2 =	sld [smem:$0x3FD9]  }
0x89: {  	s3 =	sld [smem:$0x3FFE];
	_ =	sdelay $0x1  }
0x8a: {  	s1 =	srdreg.scid  }
0x8b: {  	s0 =	sand.u32 $0x1, s1  }
0x8c: {  	s26 =	sshll.u32 s0, $0xA;
	s2 =	sadd.s32 s3, s2  }
0x8d: {  	s2 =	sadd.s32 s2, s26  }
0x8e: {  	[smem:$0x3FC4] =	sst s2  }
0x8f: {  	_ = 	snop  }
0x90: {  	s2 =	sld [smem:$0x3FD0];
	_ =	sdelay $0x1  }
0x91: {  	s5 =	sld [smem:$0x3FC9]  }
0x92: {  	s28 =	simm.s32 $0x19;
	s6 =	simm.s32 $0x10;
	s4 =	sld [smem:$0x3FC7]  }
0x93: {  	[smem:s6], [sflag:s28] =	dma.local [hbm:s2], $0x1  }
0x94: {  	_ =	swait.eq [sflag:s28], $0x1  }
0x95: {  	[sflag:s28] =	ssyncset.done $0x0  }
0x96: {  	s3 =	simm.s32 $0x0;
	s2 =	sld [smem:$0x10];
	[sflag:s28] =	ssyncadd.s32 $0xFFFFFFFF  }
0x97: {  	[smem:$0xF] =	sst s3  }
0x98: {  	(tm) =	ssettm $0x1  }
0x99: {  	s29 =	sld [smem:$0x3FFB];
	_ =	sdelay $0x3  }
0x9a: {  	_ =	strace s29  }
0x9b: {  	s6 =	sld [smem:$0x3FFC];
	_ =	sdelay $0x3  }
0x9c: {  	_ =	strace s6  }
0x9d: {  	s6 =	sld [smem:$0x3FFD];
	_ =	sdelay $0x3  }
0x9e: {  	_ =	strace s6  }
0x9f: {  	s30 =	simm.s32 $0x1B8B;
	_ =	strace $0x8FFFFFFF  }
0xa0: {  	p0 =	seq.s32 s0, $0x1;
	_ =	swait.ge [sflag:s30], $0x1  }
.Ltmp0:
0xa1: {  	[sflag:s30] =	ssyncset.done $0x0;
	(pc) =	sbr.rel @p0 .LBB1_4-.Ltmp0, $3  }
0xa2: {  	s31 =	simm.s32 $0x1B8E;
	[sflag:s30] =	ssyncadd.s32 $0xFFFFFFFF  }
0xa3: {  	[smem:$0x3FD2] =	sst s31  }
0xa4: {  	_ =	strace $0x80000046  }
0xa5: {  	s6 =	simm.s32 $0x9  }
0xa6: {  	s21 =	sadd.s32 $0x6000, s5;
	s7 =	simm.s32 $0xA;
	s8 =	simm.s32 $0x6000  }
0xa7: {  	s22 =	sadd.s32 $0xC000, s5;
	s23 =	simm.s32 $0xB;
	s24 =	simm.s32 $0xC000  }
0xa8: {  	s25 =	sadd.s32 $0x12000, s5;
	s26 =	simm.s32 $0xC;
	s28 =	simm.s32 $0x12000  }
0xa9: {  	[spmem:s3], [sflag:s6] =	dma.local [hbm:s5], $0x6000  }
0xaa: {  	p0 =	por $0x0, $0x0;
	s10 =	simm.s32 $0x4;
	s6 =	sand.u32 $0x7, s3  }
0xab: {  	[spmem:s8], [sflag:s7] =	dma.local [hbm:s21], $0x6000  }
0xac: {  	p1 =	por @!p0 $0x1, $0x1;
	s29 =	sadd.s32 $0x9, s6;
	s30 =	sadd.s32 $0x11, s6  }
0xad: {  	[spmem:s24], [sflag:s23] =	dma.local [hbm:s22], $0x6000  }
0xae: {  	[spmem:s28], [sflag:s26] =	dma.local [hbm:s25], $0x6000  }
0xaf: {  	s9 =	smul.u32 $0xC0000, s6;
	p1 =	por p1, p0;
	_ =	swait.ge [sflag:s29], $0x6000  }
0xb0: {  	s7 =	sand.u32 @!p0 $0x7, s10;
	s6 =	sxor.u32 @!p1 $0x4, s6;
	[sflag:s29] =	ssyncset.done $0x0  }
0xb1: {  	s11 =	smul.u32 @!p0 $0xC0000, s7;
	s8 =	sadd.s32 @!p0 $0x9, s7;
	[sflag:s29] =	ssyncadd.s32 $0xFFFFA000  }
0xb2: {  	s31 =	sshrl.u32 s9, $0x5;
	s9 =	sadd.s32 $0x18000, s5;
	s10 =	sadd.s32 @!p1 $0x11, s6  }
0xb3: {  	[hbm:s2], [sflag:s30] =	dma.local [spmem:s31], $0x6000  }
0xb4: {  	s5 =	simm.s32 $0x1;
	s6 =	sadd.s32 $0x6000, s2;
	_ =	swait.ge @!p1 [sflag:s10], $0x6000  }
0xb5: {  	s11 =	sshrl.u32 @!p0 s11, $0x5;
	s7 =	sadd.s32 $0x6000, s9;
	[sflag:s10] =	ssyncset.done @!p1 $0x0  }
.LBB1_2:
0xb6: {  	s12 =	sand.u32 $0x7, s5  }
0xb7: {  	[sflag:s10] =	ssyncadd.s32 @!p1 $0xFFFFA000;
	s10 =	smov.u32 s5;
	s5 =	sadd.s32 $0x1, s5  }
0xb8: {  	[spmem:s11], [sflag:s8] =	dma.local @!p0 [hbm:s9], $0x6000  }
0xb9: {  	s8 =	sadd.s32 $0x9, s12  }
0xba: {  	s9 =	sadd.s32 $0x11, s12;
	s11 =	smul.u32 $0xC0000, s12;
	s13 =	sadd.s32 $0x4, s10  }
0xbb: {  	p0 =	sgt.u32 s10, $0x1B;
	p2 =	sne.s32 s5, $0x20;
	_ =	swait.ge [sflag:s8], $0x6000  }
0xbc: {  	p1 =	slt.u32 @!p0 s10, $0x4;
	s13 =	sand.u32 @!p0 $0x7, s13;
	[sflag:s8] =	ssyncset.done $0x0  }
0xbd: {  	p1 =	por p1, p0;
	[sflag:s8] =	ssyncadd.s32 $0xFFFFA000;
	s8 =	sshrl.u32 s11, $0x5  }
0xbe: {  	[hbm:s6], [sflag:s9] =	dma.local [spmem:s8], $0x6000  }
.Ltmp1:
0xbf: {  	s9 =	sxor.u32 @!p1 $0x4, s12;
	s8 =	sadd.s32 @!p0 $0x9, s13;
	(pc) =	sbr.rel @p2 .LBB1_2-.Ltmp1, $3  }
0xc0: {  	s11 =	smul.u32 @!p0 $0xC0000, s13;
	s10 =	sadd.s32 @!p1 $0x11, s9  }
0xc1: {  	s6 =	sadd.s32 $0x6000, s6;
	s9 =	smov.u32 s7;
	_ =	swait.ge @!p1 [sflag:s10], $0x6000  }
0xc2: {  	s11 =	sshrl.u32 @!p0 s11, $0x5;
	s7 =	sadd.s32 $0x6000, s7;
	[sflag:s10] =	ssyncset.done @!p1 $0x0  }
0xc3: {  	[sflag:s10] =	ssyncadd.s32 @!p1 $0xFFFFA000  }
0xc4: {  	s5 =	simm.s32 $0x11  }
0xc5: {  	[spmem:s11], [sflag:s8] =	dma.local @!p0 [hbm:s9], $0x6000  }
0xc6: {  	_ =	swait.ge [sflag:s5], $0x6000  }
0xc7: {  	[sflag:s5] =	ssyncset.done $0x0  }
0xc8: {  	[sflag:s5] =	ssyncadd.s32 $0xFFFFA000;
	_ =	sdelay $0x1  }
0xc9: {  	s24 =	simm.s32 $0x12  }
0xca: {  	_ =	swait.ge [sflag:s24], $0x6000  }
0xcb: {  	[sflag:s24] =	ssyncset.done $0x0  }
0xcc: {  	[sflag:s24] =	ssyncadd.s32 $0xFFFFA000;
	_ =	sdelay $0x1  }
0xcd: {  	s25 =	simm.s32 $0x13  }
0xce: {  	_ =	swait.ge [sflag:s25], $0x6000  }
0xcf: {  	[sflag:s25] =	ssyncset.done $0x0  }
0xd0: {  	[sflag:s25] =	ssyncadd.s32 $0xFFFFA000;
	_ =	sdelay $0x1  }
0xd1: {  	s26 =	simm.s32 $0x14  }
0xd2: {  	_ =	swait.ge [sflag:s26], $0x6000  }
0xd3: {  	[sflag:s26] =	ssyncset.done $0x0  }
0xd4: {  	[sflag:s26] =	ssyncadd.s32 $0xFFFFA000;
	_ =	sdelay $0x1  }
0xd5: {  	s28 =	simm.s32 $0x15  }
0xd6: {  	_ =	swait.ge [sflag:s28], $0x6000  }
0xd7: {  	[sflag:s28] =	ssyncset.done $0x0  }
0xd8: {  	[sflag:s28] =	ssyncadd.s32 $0xFFFFA000;
	_ =	sdelay $0x1  }
0xd9: {  	s29 =	simm.s32 $0x16  }
0xda: {  	_ =	swait.ge [sflag:s29], $0x6000  }
0xdb: {  	[sflag:s29] =	ssyncset.done $0x0  }
0xdc: {  	[sflag:s29] =	ssyncadd.s32 $0xFFFFA000;
	_ =	sdelay $0x1  }
0xdd: {  	s30 =	simm.s32 $0x17  }
0xde: {  	_ =	swait.ge [sflag:s30], $0x6000  }
0xdf: {  	[sflag:s30] =	ssyncset.done $0x0  }
0xe0: {  	[sflag:s30] =	ssyncadd.s32 $0xFFFFA000  }
0xe1: {  	p0 =	seq.s32 s0, $0x0  }
.Ltmp2:
0xe2: {  	s31 =	simm.s32 $0x18;
	(pc) =	sbr.rel @p0 .LBB1_7-.Ltmp2, $3  }
0xe3: {  	_ =	swait.ge [sflag:s31], $0x6000  }
0xe4: {  	[sflag:s31] =	ssyncset.done $0x0  }
0xe5: {  	[sflag:s31] =	ssyncadd.s32 $0xFFFFA000  }
.LBB1_4:
0xe6: {  	s5 =	smul.u32 $0xC0000, s0  }
0xe7: {  	s6 =	simm.s32 $0x9;
	s7 =	simm.s32 $0xA;
	s8 =	simm.s32 $0x6000  }
0xe8: {  	s21 =	simm.s32 $0xB;
	s22 =	simm.s32 $0xC000;
	p0 =	por $0x0, $0x0  }
0xe9: {  	s24 =	simm.s32 $0xC;
	s25 =	simm.s32 $0x12000;
	p1 =	por @!p0 $0x1, $0x1  }
0xea: {  	s4 =	sadd.s32 s5, s4;
	s26 =	sadd.s32 s5, s2;
	p1 =	por p1, p0  }
0xeb: {  	[spmem:s3], [sflag:s6] =	dma.local [hbm:s4], $0x6000  }
0xec: {  	s2 =	simm.s32 $0x1;
	s19 =	sadd.s32 $0x6000, s4;
	s3 =	sand.u32 $0x7, s3  }
0xed: {  	[spmem:s8], [sflag:s7] =	dma.local [hbm:s19], $0x6000  }
0xee: {  	s20 =	sadd.s32 $0xC000, s4;
	s23 =	sadd.s32 $0x12000, s4;
	s28 =	sadd.s32 $0x9, s3  }
0xef: {  	[spmem:s22], [sflag:s21] =	dma.local [hbm:s20], $0x6000  }
0xf0: {  	[spmem:s25], [sflag:s24] =	dma.local [hbm:s23], $0x6000  }
0xf1: {  	s6 =	sadd.s32 $0x18000, s4;
	s29 =	sadd.s32 $0x11, s3;
	_ =	swait.ge [sflag:s28], $0x6000  }
0xf2: {  	s30 =	smul.u32 $0xC0000, s3;
	s7 =	simm.s32 $0x4;
	[sflag:s28] =	ssyncset.done $0x0  }
0xf3: {  	s3 =	sxor.u32 @!p1 $0x4, s3;
	s4 =	sand.u32 @!p0 $0x7, s7;
	[sflag:s28] =	ssyncadd.s32 $0xFFFFA000  }
0xf4: {  	s7 =	sadd.s32 @!p1 $0x11, s3;
	s31 =	sshrl.u32 s30, $0x5;
	s9 =	smul.u32 @!p0 $0xC0000, s4  }
0xf5: {  	[hbm:s26], [sflag:s29] =	dma.local [spmem:s31], $0x6000  }
0xf6: {  	s3 =	sadd.s32 $0x6000, s26;
	s5 =	sadd.s32 @!p0 $0x9, s4;
	_ =	swait.ge @!p1 [sflag:s7], $0x6000  }
0xf7: {  	s4 =	sadd.s32 $0x6000, s6;
	s8 =	sshrl.u32 @!p0 s9, $0x5;
	[sflag:s7] =	ssyncset.done @!p1 $0x0  }
.LBB1_5:
0xf8: {  	s9 =	sand.u32 $0x7, s2  }
0xf9: {  	[sflag:s7] =	ssyncadd.s32 @!p1 $0xFFFFA000;
	s7 =	smov.u32 s2;
	s2 =	sadd.s32 $0x1, s2  }
0xfa: {  	[spmem:s8], [sflag:s5] =	dma.local @!p0 [hbm:s6], $0x6000  }
0xfb: {  	s5 =	sadd.s32 $0x9, s9  }
0xfc: {  	s6 =	sadd.s32 $0x11, s9;
	s8 =	smul.u32 $0xC0000, s9;
	s10 =	sadd.s32 $0x4, s7  }
0xfd: {  	p0 =	sgt.u32 s7, $0x1B;
	p2 =	sne.s32 s2, $0x20;
	_ =	swait.ge [sflag:s5], $0x6000  }
0xfe: {  	p1 =	slt.u32 @!p0 s7, $0x4;
	s10 =	sand.u32 @!p0 $0x7, s10;
	[sflag:s5] =	ssyncset.done $0x0  }
0xff: {  	p1 =	por p1, p0;
	[sflag:s5] =	ssyncadd.s32 $0xFFFFA000;
	s5 =	sshrl.u32 s8, $0x5  }
0x100: {  	[hbm:s3], [sflag:s6] =	dma.local [spmem:s5], $0x6000  }
.Ltmp3:
0x101: {  	s6 =	sxor.u32 @!p1 $0x4, s9;
	s5 =	sadd.s32 @!p0 $0x9, s10;
	(pc) =	sbr.rel @p2 .LBB1_5-.Ltmp3, $3  }
0x102: {  	s8 =	smul.u32 @!p0 $0xC0000, s10;
	s7 =	sadd.s32 @!p1 $0x11, s6  }
0x103: {  	s3 =	sadd.s32 $0x6000, s3;
	s6 =	smov.u32 s4;
	_ =	swait.ge @!p1 [sflag:s7], $0x6000  }
0x104: {  	s8 =	sshrl.u32 @!p0 s8, $0x5;
	s4 =	sadd.s32 $0x6000, s4;
	[sflag:s7] =	ssyncset.done @!p1 $0x0  }
0x105: {  	[sflag:s7] =	ssyncadd.s32 @!p1 $0xFFFFA000  }
0x106: {  	s2 =	simm.s32 $0x11  }
0x107: {  	[spmem:s8], [sflag:s5] =	dma.local @!p0 [hbm:s6], $0x6000  }
0x108: {  	_ =	swait.ge [sflag:s2], $0x6000  }
0x109: {  	[sflag:s2] =	ssyncset.done $0x0  }
0x10a: {  	[sflag:s2] =	ssyncadd.s32 $0xFFFFA000;
	_ =	sdelay $0x1  }
0x10b: {  	s24 =	simm.s32 $0x12  }
0x10c: {  	_ =	swait.ge [sflag:s24], $0x6000  }
0x10d: {  	[sflag:s24] =	ssyncset.done $0x0  }
0x10e: {  	[sflag:s24] =	ssyncadd.s32 $0xFFFFA000;
	_ =	sdelay $0x1  }
0x10f: {  	s25 =	simm.s32 $0x13  }
0x110: {  	_ =	swait.ge [sflag:s25], $0x6000  }
0x111: {  	[sflag:s25] =	ssyncset.done $0x0  }
0x112: {  	[sflag:s25] =	ssyncadd.s32 $0xFFFFA000;
	_ =	sdelay $0x1  }
0x113: {  	s26 =	simm.s32 $0x14  }
0x114: {  	_ =	swait.ge [sflag:s26], $0x6000  }
0x115: {  	[sflag:s26] =	ssyncset.done $0x0  }
0x116: {  	[sflag:s26] =	ssyncadd.s32 $0xFFFFA000;
	_ =	sdelay $0x1  }
0x117: {  	s28 =	simm.s32 $0x15  }
0x118: {  	_ =	swait.ge [sflag:s28], $0x6000  }
0x119: {  	[sflag:s28] =	ssyncset.done $0x0  }
0x11a: {  	[sflag:s28] =	ssyncadd.s32 $0xFFFFA000;
	_ =	sdelay $0x1  }
0x11b: {  	s29 =	simm.s32 $0x16  }
0x11c: {  	_ =	swait.ge [sflag:s29], $0x6000  }
0x11d: {  	[sflag:s29] =	ssyncset.done $0x0  }
0x11e: {  	[sflag:s29] =	ssyncadd.s32 $0xFFFFA000;
	_ =	sdelay $0x1  }
0x11f: {  	s30 =	simm.s32 $0x17  }
0x120: {  	_ =	swait.ge [sflag:s30], $0x6000  }
0x121: {  	[sflag:s30] =	ssyncset.done $0x0  }
0x122: {  	[sflag:s30] =	ssyncadd.s32 $0xFFFFA000;
	_ =	sdelay $0x1  }
0x123: {  	s31 =	simm.s32 $0x18  }
0x124: {  	_ =	swait.ge [sflag:s31], $0x6000  }
0x125: {  	[sflag:s31] =	ssyncset.done $0x0  }
0x126: {  	[sflag:s31] =	ssyncadd.s32 $0xFFFFA000  }
.LBB1_7:
0x127: {  	_ =	strace $0x90000046  }
0x128: {  	_ =	sfence  }
0x129: {  	s2 =	sld [smem:$0x0];
	_ =	sdelay $0x2  }
0x12a: {  	s3 =	sshll.u32 s1, $0xD;
	s31 =	sshrl.u32 s1, $0x2  }
0x12b: {  	s3 =	sand.u32 $0x4000, s3;
	s1 =	sadd.s32 s31, s2  }
0x12c: {  	s0 =	sor.u32 s3, s0;
	s1 =	sshll.u32 s1, $0x11  }
0x12d: {  	s0 =	sor.u32 s1, s0  }
0x12e: {  	s0 =	sadd.s32 $0x8F2B, s0;
	(pc) =	sbr.abs _section_cstart, $3  }
0x12f: {  	[sflag:s0] =	ssyncadd.remote.s32 $0x1  }
0x130: {  	_ =	strace $0x9FFFFFFF  }
0x131: {  	(tm) =	ssettm $0x7FFFFFFF  }

</sc_bundles>
